<compile_context>
chip_gen: v7x
topology: tpu7x:2x2x1
jax: 0.10.2.dev20260603
libtpu: 0.0.44.dev20260713+nightly
codegen_flags: <defaults>
</compile_context>

<pallas_src>
import jax
import jax.numpy as jnp
from jax import lax
from jax.experimental import pallas as pl
from jax.experimental.pallas import tpu as pltpu
from jax.experimental.pallas import tpu_sc as plsc

N = 250
IN = 2048
OUT = 256
R = 7
E = 16000

EP = 16384
NW = 32
EPW = EP // NW
CH = 64
NCH = EPW // CH
ROWS = (R + 1) * N
OUTW = OUT // 2

EB = 8
EPB = EP // EB

NB = 10
NPB = N // NB



def _pack_halves(v):
    k = v.shape[1] // 2
    lo = v[:, :k].astype(jnp.bfloat16).astype(jnp.float32)
    hi = v[:, k:].astype(jnp.bfloat16).astype(jnp.float32)
    lo_w = lax.shift_right_logical(lax.bitcast_convert_type(lo, jnp.int32), 16)
    hi_w = lax.bitwise_and(lax.bitcast_convert_type(hi, jnp.int32),
                           jnp.int32(-65536))
    return lax.bitwise_or(lo_w, hi_w)


def _unpack_halves(w):
    lo = lax.bitcast_convert_type(lax.shift_left(w, 16), jnp.float32)
    hi = lax.bitcast_convert_type(
        lax.bitwise_and(w, jnp.int32(-65536)), jnp.float32)
    return lo, hi


def _mm_body(x_ref, w_ref, root_ref, h_ref):
    r = pl.program_id(0)

    def mm(b_ref):
        acc = jnp.dot(x_ref[...], b_ref.astype(jnp.bfloat16),
                      preferred_element_type=jnp.float32)
        h_ref[0] = _pack_halves(acc)

    @pl.when(r < R)
    def _():
        mm(w_ref[0])

    @pl.when(r == R)
    def _():
        mm(root_ref[...])


def _stage1(xb, W, root):
    return pl.pallas_call(
        _mm_body,
        grid=(R + 1,),
        in_specs=[
            pl.BlockSpec((N, IN), lambda r: (0, 0)),
            pl.BlockSpec((1, IN, OUT), lambda r: (jnp.minimum(r, R - 1), 0, 0)),
            pl.BlockSpec((IN, OUT), lambda r: (0, 0)),
        ],
        out_specs=pl.BlockSpec((1, N, OUTW), lambda r: (r, 0, 0)),
        out_shape=jax.ShapeDtypeStruct((R + 1, N, OUTW), jnp.int32),
    )(xb, W, root)



def _sc_body(h_hbm, edges_hbm, m_hbm, edges_v, *rest):
    mrows = rest[:NCH]
    bufs = rest[NCH:2 * NCH]
    gsems = rest[2 * NCH:3 * NCH]
    wsems = rest[3 * NCH:4 * NCH]
    cid = lax.axis_index("c")
    sid = lax.axis_index("s")
    base = (cid * 16 + sid) * EPW

    pltpu.sync_copy(edges_hbm.at[:, pl.ds(base, EPW)], edges_v)

    def dst(j):
        return m_hbm.at[pl.ds(base + j * CH, CH)]

    gs = []
    for j in range(NCH):
        for k in range(CH // 16):
            i = j * (CH // 16) + k
            s = edges_v[0, pl.ds(i * 16, 16)]
            r = edges_v[1, pl.ds(i * 16, 16)]
            mrows[j][pl.ds(k * 16, 16)] = r * N + s
        gs.append(pltpu.async_copy(h_hbm.at[mrows[j]], bufs[j], gsems[j]))
    ws = []
    for j in range(NCH):
        gs[j].wait()
        ws.append(pltpu.async_copy(bufs[j], dst(j), wsems[j]))
    for w in ws:
        w.wait()


def _sc_gather(h_tab, edges):
    mesh = plsc.VectorSubcoreMesh(core_axis_name="c", subcore_axis_name="s")
    f = pl.kernel(
        _sc_body,
        out_type=jax.ShapeDtypeStruct((EP, OUTW), jnp.int32),
        mesh=mesh,
        scratch_types=(
            [pltpu.VMEM((2, EPW), jnp.int32)]
            + [pltpu.VMEM((CH,), jnp.int32)] * NCH
            + [pltpu.VMEM((CH, OUTW), jnp.int32)] * NCH
            + [pltpu.SemaphoreType.DMA] * (2 * NCH)
        ),
    )
    return f(h_tab, edges)



def _onehots_t(dst_ref, rel_ref):
    dstoht = (lax.broadcasted_iota(jnp.int32, (N, EPB), 0).astype(jnp.float32)
              == dst_ref[...]).astype(jnp.float32)
    reloht = (lax.broadcasted_iota(jnp.int32, (R + 1, EPB), 0).astype(jnp.float32)
              == rel_ref[...]).astype(jnp.float32)
    return dstoht, reloht


def _cnt_body(dst_ref, rel_ref, cnt_ref):
    b = pl.program_id(0)
    dstoht, reloht = _onehots_t(dst_ref, rel_ref)

    @pl.when(b == 0)
    def _():
        cnt_ref[...] = jnp.zeros_like(cnt_ref)

    cnt_ref[...] += lax.dot_general(
        dstoht, reloht, (((1,), (1,)), ((), ())),
        preferred_element_type=jnp.float32)


def _stage3a(dst_f, rel_f):
    return pl.pallas_call(
        _cnt_body,
        grid=(EB,),
        in_specs=[
            pl.BlockSpec((1, EPB), lambda b: (0, b)),
            pl.BlockSpec((1, EPB), lambda b: (0, b)),
        ],
        out_specs=pl.BlockSpec((N, R + 1), lambda b: (0, 0)),
        out_shape=jax.ShapeDtypeStruct((N, R + 1), jnp.float32),
    )(dst_f, rel_f)



def _agg_body(m_ref, dst_ref, rel_ref, cnt_ref, o_ref):
    b = pl.program_id(0)
    dstoht, reloht = _onehots_t(dst_ref, rel_ref)
    rmask = (lax.broadcasted_iota(jnp.int32, (N, R + 1), 1) < R)
    invt = jnp.where(rmask, 1.0 / jnp.maximum(cnt_ref[...], 1.0), 0.0)
    invselt = jnp.dot(invt, reloht, preferred_element_type=jnp.float32)
    sprimet = (dstoht * invselt).astype(jnp.bfloat16)

    m_lo, m_hi = _unpack_halves(m_ref[...])

    @pl.when(b == 0)
    def _():
        o_ref[...] = jnp.zeros_like(o_ref)

    o_ref[:, :OUTW] += jnp.dot(sprimet, m_lo.astype(jnp.bfloat16),
                               preferred_element_type=jnp.float32)
    o_ref[:, OUTW:] += jnp.dot(sprimet, m_hi.astype(jnp.bfloat16),
                               preferred_element_type=jnp.float32)


def _stage3b(m, dst_f, rel_f, cnt):
    return pl.pallas_call(
        _agg_body,
        grid=(EB,),
        in_specs=[
            pl.BlockSpec((EPB, OUTW), lambda b: (b, 0)),
            pl.BlockSpec((1, EPB), lambda b: (0, b)),
            pl.BlockSpec((1, EPB), lambda b: (0, b)),
            pl.BlockSpec((N, R + 1), lambda b: (0, 0)),
        ],
        out_specs=pl.BlockSpec((N, OUT), lambda b: (0, 0)),
        out_shape=jax.ShapeDtypeStruct((N, OUT), jnp.float32),
    )(m, dst_f, rel_f, cnt)



def _fin_body(osum_ref, hroot_ref, bias_ref, fcw_ref, fcb_ref, y_ref):
    nb = pl.program_id(0)

    hr_lo, hr_hi = _unpack_halves(hroot_ref[0])
    hroot = jnp.concatenate([hr_lo, hr_hi], axis=1)
    o = hroot + bias_ref[...] + osum_ref[0]
    o = jnp.maximum(o, 0.0)

    part = jnp.zeros((1, OUT), jnp.float32)
    for n in range(NPB):
        w_n = fcw_ref[:, n * OUT:(n + 1) * OUT]
        part = part + lax.dot_general(
            o[n:n + 1, :], w_n, (((1,), (1,)), ((), ())),
            preferred_element_type=jnp.float32)

    @pl.when(nb == 0)
    def _():
        y_ref[...] = fcb_ref[...]

    y_ref[...] += part


def _stage3c(osum, hroot, bias2, fc_w, fcb2):
    return pl.pallas_call(
        _fin_body,
        grid=(NB,),
        in_specs=[
            pl.BlockSpec((1, NPB, OUT), lambda nb: (nb, 0, 0)),
            pl.BlockSpec((1, NPB, OUTW), lambda nb: (nb, 0, 0)),
            pl.BlockSpec((1, OUT), lambda nb: (0, 0)),
            pl.BlockSpec((OUT, NPB * OUT), lambda nb: (0, nb)),
            pl.BlockSpec((1, OUT), lambda nb: (0, 0)),
        ],
        out_specs=pl.BlockSpec((1, OUT), lambda nb: (0, 0)),
        out_shape=jax.ShapeDtypeStruct((1, OUT), jnp.float32),
    )(osum, hroot, bias2, fc_w, fcb2)



def kernel(node_x, edge_idx, edge_attr, W, root, bias, fc_w, fc_b):
    x = node_x[0].astype(jnp.float32)
    src = edge_idx[0, 0]
    dst = edge_idx[0, 1]
    rel = edge_attr[0]
    pad = EP - E
    src_p = jnp.concatenate([src, jnp.zeros((pad,), jnp.int32)])
    dst_p = jnp.concatenate([dst, jnp.zeros((pad,), jnp.int32)])
    rel_p = jnp.concatenate([rel, jnp.full((pad,), R, jnp.int32)])
    edges = jnp.stack([src_p, rel_p])
    dst_f = dst_p.astype(jnp.float32).reshape(1, EP)
    rel_f = rel_p.astype(jnp.float32).reshape(1, EP)

    H = _stage1(x.astype(jnp.bfloat16), W, root)
    h_tab = H.reshape(ROWS, OUTW)

    m = _sc_gather(h_tab, edges)
    cnt = _stage3a(dst_f, rel_f)
    osum = _stage3b(m, dst_f, rel_f, cnt)

    y = _stage3c(osum.reshape(NB, NPB, OUT), H[R].reshape(NB, NPB, OUTW),
                 bias.reshape(1, OUT), fc_w, fc_b.reshape(1, OUT))
    return y

# --- scband reference (transcript-rebuilt; emitter-appended) ---
"""Pipeline reference for scband-temporal-ext-gcn-37529424233356 (READ-ONLY COPY).

The authoritative reference and input builder live on the scoring server;
editing this copy changes nothing except your own understanding.
"""

import jax, jax.numpy as jnp
import numpy as np

N = 250
IN = 2048
OUT = 256
R = 7
E = 16000


def setup_inputs(seed: int = 0) -> dict:
    key = jax.random.key(seed)
    k1, k2, k3, k4, k5, k6 = jax.random.split(key, 6)
    node_x = jax.random.normal(k1, (1, N, IN), dtype=jnp.float32)
    edge_idx = jax.random.randint(k2, (1, 2, E), 0, N, dtype=jnp.int32)
    edge_attr = jax.random.randint(k3, (1, E), 0, R, dtype=jnp.int32)
    # RGCNConv parameters: per-relation weight, root weight, bias
    W = jax.random.normal(k4, (R, IN, OUT), dtype=jnp.float32) * (1.0 / np.sqrt(IN))
    root = jax.random.normal(k5, (IN, OUT), dtype=jnp.float32) * (1.0 / np.sqrt(IN))
    bias = jnp.zeros((OUT,), dtype=jnp.float32)
    # fc: Linear(250*OUT, OUT)
    fc_w = jax.random.normal(k6, (OUT, N * OUT), dtype=jnp.float32) * (1.0 / np.sqrt(N * OUT))
    fc_b = jnp.zeros((OUT,), dtype=jnp.float32)
    return {"node_x": node_x, "edge_idx": edge_idx, "edge_attr": edge_attr,
            "W": W, "root": root, "bias": bias, "fc_w": fc_w, "fc_b": fc_b}


def reference(node_x, edge_idx, edge_attr, W, root, bias, fc_w, fc_b):
    x = node_x[0].astype(jnp.float32)          # [N, IN]
    ei = edge_idx[0]                            # [2, E]
    rel = edge_attr[0]                          # [E]
    src, dst = ei[0], ei[1]
    # RGCNConv (mean aggregation per relation) + root transform + bias
    out = x @ root + bias                       # [N, OUT]
    for r in range(R):
        mask = (rel == r).astype(x.dtype)       # [E]
        h = x @ W[r]                            # [N, OUT]
        m = h[src] * mask[:, None]              # [E, OUT] gather + mask
        s = jnp.zeros((N, OUT), dtype=x.dtype).at[dst].add(m)
        cnt = jnp.zeros((N,), dtype=x.dtype).at[dst].add(mask)
        out = out + s / jnp.clip(cnt, 1.0)[:, None]
    out = jax.nn.relu(out)
    flat = out.reshape(1, -1)                   # [1, N*OUT]
    y = flat @ fc_w.T + fc_b                    # [1, OUT]
    return y

if __name__ == "__main__":
    import jax
    _d = setup_inputs()
    print(jax.jit(kernel)(*tuple(_d.values())))

</pallas_src>

<mosaic_0001>
#map = affine_map<(d0, d1) -> (0, 0)>
module attributes {stable_mosaic.version = 14 : i64} {
  func.func @_sc_body(%arg0: i32, %arg1: i32, %arg2: memref<2000x128xi32, #tpu.memory_space<hbm>>, %arg3: memref<2x16384xi32, #tpu.memory_space<hbm>>, %arg4: memref<16384x128xi32, #tpu.memory_space<hbm>>, %arg5: memref<2x512xi32, #tpu.memory_space<vmem>>, %arg6: memref<64xi32, #tpu.memory_space<vmem>>, %arg7: memref<64xi32, #tpu.memory_space<vmem>>, %arg8: memref<64xi32, #tpu.memory_space<vmem>>, %arg9: memref<64xi32, #tpu.memory_space<vmem>>, %arg10: memref<64xi32, #tpu.memory_space<vmem>>, %arg11: memref<64xi32, #tpu.memory_space<vmem>>, %arg12: memref<64xi32, #tpu.memory_space<vmem>>, %arg13: memref<64xi32, #tpu.memory_space<vmem>>, %arg14: memref<64x128xi32, #tpu.memory_space<vmem>>, %arg15: memref<64x128xi32, #tpu.memory_space<vmem>>, %arg16: memref<64x128xi32, #tpu.memory_space<vmem>>, %arg17: memref<64x128xi32, #tpu.memory_space<vmem>>, %arg18: memref<64x128xi32, #tpu.memory_space<vmem>>, %arg19: memref<64x128xi32, #tpu.memory_space<vmem>>, %arg20: memref<64x128xi32, #tpu.memory_space<vmem>>, %arg21: memref<64x128xi32, #tpu.memory_space<vmem>>, %arg22: memref<!tpu.dma_semaphore, #tpu.memory_space<semaphore_mem>>, %arg23: memref<!tpu.dma_semaphore, #tpu.memory_space<semaphore_mem>>, %arg24: memref<!tpu.dma_semaphore, #tpu.memory_space<semaphore_mem>>, %arg25: memref<!tpu.dma_semaphore, #tpu.memory_space<semaphore_mem>>, %arg26: memref<!tpu.dma_semaphore, #tpu.memory_space<semaphore_mem>>, %arg27: memref<!tpu.dma_semaphore, #tpu.memory_space<semaphore_mem>>, %arg28: memref<!tpu.dma_semaphore, #tpu.memory_space<semaphore_mem>>, %arg29: memref<!tpu.dma_semaphore, #tpu.memory_space<semaphore_mem>>, %arg30: memref<!tpu.dma_semaphore, #tpu.memory_space<semaphore_mem>>, %arg31: memref<!tpu.dma_semaphore, #tpu.memory_space<semaphore_mem>>, %arg32: memref<!tpu.dma_semaphore, #tpu.memory_space<semaphore_mem>>, %arg33: memref<!tpu.dma_semaphore, #tpu.memory_space<semaphore_mem>>, %arg34: memref<!tpu.dma_semaphore, #tpu.memory_space<semaphore_mem>>, %arg35: memref<!tpu.dma_semaphore, #tpu.memory_space<semaphore_mem>>, %arg36: memref<!tpu.dma_semaphore, #tpu.memory_space<semaphore_mem>>, %arg37: memref<!tpu.dma_semaphore, #tpu.memory_space<semaphore_mem>>) attributes {dimension_semantics = [#tpu.dimension_semantics<core_parallel>, #tpu.dimension_semantics<subcore_parallel>], iteration_bounds = array<i64: 2, 16>, scalar_prefetch = 0 : i64, scratch_operands = 33 : i64, tpu.core_type = #tpu.core_type<sc_vector_subcore>, window_params = [{transform_indices = #map}, {transform_indices = #map}, {transform_indices = #map}]} {
    %mul3A = arith.constant 16 : i32
    %mul3A_0 = arith.muli %arg0, %mul3A : i32
    %add3A = arith.addi %mul3A_0, %arg1 : i32
    %mul3A_1 = arith.constant 512 : i32
    %mul3A_2 = arith.muli %add3A, %mul3A_1 : i32
    "tpu.region"() ({
      %run_scoped3A = tpu.sem_alloc : memref<!tpu.dma_semaphore, #tpu.memory_space<semaphore_mem>>
      %dma_start3A_703 = arith.constant 0 : i32
      %dma_start3A_704 = tpu.memref_slice %arg3[%dma_start3A_703, %mul3A_2] : memref<2x16384xi32, #tpu.memory_space<hbm>> -> memref<2x512xi32, #tpu.memory_space<hbm>>
      %dma_start3A_705 = arith.constant 0 : i32
      %dma_start3A_706 = tpu.memref_slice %arg3[%dma_start3A_705, %mul3A_2] : memref<2x16384xi32, #tpu.memory_space<hbm>> -> memref<2x512xi32, #tpu.memory_space<hbm>>
      tpu.enqueue_dma source(%dma_start3A_706 : memref<2x512xi32, #tpu.memory_space<hbm>>) target(%arg5 : memref<2x512xi32, #tpu.memory_space<vmem>>) target_semaphore(%run_scoped3A : memref<!tpu.dma_semaphore, #tpu.memory_space<semaphore_mem>>)
      %dma_wait3A_707 = arith.constant 0 : i32
      %dma_wait3A_708 = tpu.memref_slice %arg3[%dma_wait3A_707, %mul3A_2] : memref<2x16384xi32, #tpu.memory_space<hbm>> -> memref<2x512xi32, #tpu.memory_space<hbm>>
      %dma_wait3A_709 = arith.constant 0 : i32
      %dma_wait3A_710 = tpu.memref_slice %arg3[%dma_wait3A_709, %mul3A_2] : memref<2x16384xi32, #tpu.memory_space<hbm>> -> memref<2x512xi32, #tpu.memory_space<hbm>>
      tpu.wait_dma2 semaphore(%run_scoped3A : memref<!tpu.dma_semaphore, #tpu.memory_space<semaphore_mem>>) src(%dma_wait3A_710 : memref<2x512xi32, #tpu.memory_space<hbm>>) dst(%arg5 : memref<2x512xi32, #tpu.memory_space<vmem>>)
      tpu.yield
    }) : () -> ()
    %get3A = arith.constant 0 : i32
    %get3A_3 = arith.index_cast %get3A : i32 to index
    %get3A_4 = arith.constant 0 : index
    %get3A_5 = tpu.vector_load %arg5[%get3A_3, %get3A_4] {strides = array<i32>} : memref<2x512xi32, #tpu.memory_space<vmem>>, vector<1x16xi32>,
    %get3A_6 = vector.shape_cast %get3A_5 : vector<1x16xi32> to vector<16xi32>
    %get3A_7 = arith.constant 1 : i32
    %get3A_8 = arith.index_cast %get3A_7 : i32 to index
    %get3A_9 = arith.constant 0 : index
    %get3A_10 = tpu.vector_load %arg5[%get3A_8, %get3A_9] {strides = array<i32>} : memref<2x512xi32, #tpu.memory_space<vmem>>, vector<1x16xi32>,
    %get3A_11 = vector.shape_cast %get3A_10 : vector<1x16xi32> to vector<16xi32>
    %mul3A_12 = arith.constant 250 : i32
    %mul3A_13 = vector.broadcast %mul3A_12 : i32 to vector<16xi32>
    %mul3A_14 = arith.muli %get3A_11, %mul3A_13 : vector<16xi32>
    %add3A_15 = arith.addi %mul3A_14, %get3A_6 : vector<16xi32>
    %swap3A = arith.constant 0 : index
    %swap3A_16 = tpu.vector_load %arg6[%swap3A] {strides = array<i32>} : memref<64xi32, #tpu.memory_space<vmem>>, vector<16xi32>,
    %swap3A_17 = vector.shape_cast %swap3A_16 : vector<16xi32> to vector<16xi32>
    %swap3A_18 = vector.shape_cast %add3A_15 : vector<16xi32> to vector<16xi32>
    tpu.vector_store %arg6[%swap3A], %swap3A_18 {strides = array<i32>} : memref<64xi32, #tpu.memory_space<vmem>>, vector<16xi32>,
    %get3A_19 = arith.constant 0 : i32
    %get3A_20 = arith.index_cast %get3A_19 : i32 to index
    %get3A_21 = arith.constant 16 : index
    %get3A_22 = tpu.vector_load %arg5[%get3A_20, %get3A_21] {strides = array<i32>} : memref<2x512xi32, #tpu.memory_space<vmem>>, vector<1x16xi32>,
    %get3A_23 = vector.shape_cast %get3A_22 : vector<1x16xi32> to vector<16xi32>
    %get3A_24 = arith.constant 1 : i32
    %get3A_25 = arith.index_cast %get3A_24 : i32 to index
    %get3A_26 = arith.constant 16 : index
    %get3A_27 = tpu.vector_load %arg5[%get3A_25, %get3A_26] {strides = array<i32>} : memref<2x512xi32, #tpu.memory_space<vmem>>, vector<1x16xi32>,
    %get3A_28 = vector.shape_cast %get3A_27 : vector<1x16xi32> to vector<16xi32>
    %mul3A_29 = arith.constant 250 : i32
    %mul3A_30 = vector.broadcast %mul3A_29 : i32 to vector<16xi32>
    %mul3A_31 = arith.muli %get3A_28, %mul3A_30 : vector<16xi32>
    %add3A_32 = arith.addi %mul3A_31, %get3A_23 : vector<16xi32>
    %swap3A_33 = arith.constant 16 : index
    %swap3A_34 = tpu.vector_load %arg6[%swap3A_33] {strides = array<i32>} : memref<64xi32, #tpu.memory_space<vmem>>, vector<16xi32>,
    %swap3A_35 = vector.shape_cast %swap3A_34 : vector<16xi32> to vector<16xi32>
    %swap3A_36 = vector.shape_cast %add3A_32 : vector<16xi32> to vector<16xi32>
    tpu.vector_store %arg6[%swap3A_33], %swap3A_36 {strides = array<i32>} : memref<64xi32, #tpu.memory_space<vmem>>, vector<16xi32>,
    %get3A_37 = arith.constant 0 : i32
    %get3A_38 = arith.index_cast %get3A_37 : i32 to index
    %get3A_39 = arith.constant 32 : index
    %get3A_40 = tpu.vector_load %arg5[%get3A_38, %get3A_39] {strides = array<i32>} : memref<2x512xi32, #tpu.memory_space<vmem>>, vector<1x16xi32>,
    %get3A_41 = vector.shape_cast %get3A_40 : vector<1x16xi32> to vector<16xi32>
    %get3A_42 = arith.constant 1 : i32
    %get3A_43 = arith.index_cast %get3A_42 : i32 to index
    %get3A_44 = arith.constant 32 : index
    %get3A_45 = tpu.vector_load %arg5[%get3A_43, %get3A_44] {strides = array<i32>} : memref<2x512xi32, #tpu.memory_space<vmem>>, vector<1x16xi32>,
    %get3A_46 = vector.shape_cast %get3A_45 : vector<1x16xi32> to vector<16xi32>
    %mul3A_47 = arith.constant 250 : i32
    %mul3A_48 = vector.broadcast %mul3A_47 : i32 to vector<16xi32>
    %mul3A_49 = arith.muli %get3A_46, %mul3A_48 : vector<16xi32>
    %add3A_50 = arith.addi %mul3A_49, %get3A_41 : vector<16xi32>
    %swap3A_51 = arith.constant 32 : index
    %swap3A_52 = tpu.vector_load %arg6[%swap3A_51] {strides = array<i32>} : memref<64xi32, #tpu.memory_space<vmem>>, vector<16xi32>,
    %swap3A_53 = vector.shape_cast %swap3A_52 : vector<16xi32> to vector<16xi32>
    %swap3A_54 = vector.shape_cast %add3A_50 : vector<16xi32> to vector<16xi32>
    tpu.vector_store %arg6[%swap3A_51], %swap3A_54 {strides = array<i32>} : memref<64xi32, #tpu.memory_space<vmem>>, vector<16xi32>,
    %get3A_55 = arith.constant 0 : i32
    %get3A_56 = arith.index_cast %get3A_55 : i32 to index
    %get3A_57 = arith.constant 48 : index
    %get3A_58 = tpu.vector_load %arg5[%get3A_56, %get3A_57] {strides = array<i32>} : memref<2x512xi32, #tpu.memory_space<vmem>>, vector<1x16xi32>,
    %get3A_59 = vector.shape_cast %get3A_58 : vector<1x16xi32> to vector<16xi32>
    %get3A_60 = arith.constant 1 : i32
    %get3A_61 = arith.index_cast %get3A_60 : i32 to index
    %get3A_62 = arith.constant 48 : index
    %get3A_63 = tpu.vector_load %arg5[%get3A_61, %get3A_62] {strides = array<i32>} : memref<2x512xi32, #tpu.memory_space<vmem>>, vector<1x16xi32>,
    %get3A_64 = vector.shape_cast %get3A_63 : vector<1x16xi32> to vector<16xi32>
    %mul3A_65 = arith.constant 250 : i32
    %mul3A_66 = vector.broadcast %mul3A_65 : i32 to vector<16xi32>
    %mul3A_67 = arith.muli %get3A_64, %mul3A_66 : vector<16xi32>
    %add3A_68 = arith.addi %mul3A_67, %get3A_59 : vector<16xi32>
    %swap3A_69 = arith.constant 48 : index
    %swap3A_70 = tpu.vector_load %arg6[%swap3A_69] {strides = array<i32>} : memref<64xi32, #tpu.memory_space<vmem>>, vector<16xi32>,
    %swap3A_71 = vector.shape_cast %swap3A_70 : vector<16xi32> to vector<16xi32>
    %swap3A_72 = vector.shape_cast %add3A_68 : vector<16xi32> to vector<16xi32>
    tpu.vector_store %arg6[%swap3A_69], %swap3A_72 {strides = array<i32>} : memref<64xi32, #tpu.memory_space<vmem>>, vector<16xi32>,
    %dma_start3A = arith.constant 0 : i32
    %dma_start3A_73 = arith.constant 0 : i32
    %dma_start3A_74 = tpu.memref_slice %arg2[%dma_start3A, %dma_start3A_73] : memref<2000x128xi32, #tpu.memory_space<hbm>> -> memref<2000x128xi32, #tpu.memory_space<hbm>>
    tpu.enqueue_indirect_dma source(%dma_start3A_74 : memref<2000x128xi32, #tpu.memory_space<hbm>>) target(%arg14 : memref<64x128xi32, #tpu.memory_space<vmem>>) offsets(%arg6 : memref<64xi32, #tpu.memory_space<vmem>>) semaphore(%arg22 : memref<!tpu.dma_semaphore, #tpu.memory_space<semaphore_mem>>)
    %get3A_75 = arith.constant 0 : i32
    %get3A_76 = arith.index_cast %get3A_75 : i32 to index
    %get3A_77 = arith.constant 64 : index
    %get3A_78 = tpu.vector_load %arg5[%get3A_76, %get3A_77] {strides = array<i32>} : memref<2x512xi32, #tpu.memory_space<vmem>>, vector<1x16xi32>,
    %get3A_79 = vector.shape_cast %get3A_78 : vector<1x16xi32> to vector<16xi32>
    %get3A_80 = arith.constant 1 : i32
    %get3A_81 = arith.index_cast %get3A_80 : i32 to index
    %get3A_82 = arith.constant 64 : index
    %get3A_83 = tpu.vector_load %arg5[%get3A_81, %get3A_82] {strides = array<i32>} : memref<2x512xi32, #tpu.memory_space<vmem>>, vector<1x16xi32>,
    %get3A_84 = vector.shape_cast %get3A_83 : vector<1x16xi32> to vector<16xi32>
    %mul3A_85 = arith.constant 250 : i32
    %mul3A_86 = vector.broadcast %mul3A_85 : i32 to vector<16xi32>
    %mul3A_87 = arith.muli %get3A_84, %mul3A_86 : vector<16xi32>
    %add3A_88 = arith.addi %mul3A_87, %get3A_79 : vector<16xi32>
    %swap3A_89 = arith.constant 0 : index
    %swap3A_90 = tpu.vector_load %arg7[%swap3A_89] {strides = array<i32>} : memref<64xi32, #tpu.memory_space<vmem>>, vector<16xi32>,
    %swap3A_91 = vector.shape_cast %swap3A_90 : vector<16xi32> to vector<16xi32>
    %swap3A_92 = vector.shape_cast %add3A_88 : vector<16xi32> to vector<16xi32>
    tpu.vector_store %arg7[%swap3A_89], %swap3A_92 {strides = array<i32>} : memref<64xi32, #tpu.memory_space<vmem>>, vector<16xi32>,
    %get3A_93 = arith.constant 0 : i32
    %get3A_94 = arith.index_cast %get3A_93 : i32 to index
    %get3A_95 = arith.constant 80 : index
    %get3A_96 = tpu.vector_load %arg5[%get3A_94, %get3A_95] {strides = array<i32>} : memref<2x512xi32, #tpu.memory_space<vmem>>, vector<1x16xi32>,
    %get3A_97 = vector.shape_cast %get3A_96 : vector<1x16xi32> to vector<16xi32>
    %get3A_98 = arith.constant 1 : i32
    %get3A_99 = arith.index_cast %get3A_98 : i32 to index
    %get3A_100 = arith.constant 80 : index
    %get3A_101 = tpu.vector_load %arg5[%get3A_99, %get3A_100] {strides = array<i32>} : memref<2x512xi32, #tpu.memory_space<vmem>>, vector<1x16xi32>,
    %get3A_102 = vector.shape_cast %get3A_101 : vector<1x16xi32> to vector<16xi32>
    %mul3A_103 = arith.constant 250 : i32
    %mul3A_104 = vector.broadcast %mul3A_103 : i32 to vector<16xi32>
    %mul3A_105 = arith.muli %get3A_102, %mul3A_104 : vector<16xi32>
    %add3A_106 = arith.addi %mul3A_105, %get3A_97 : vector<16xi32>
    %swap3A_107 = arith.constant 16 : index
    %swap3A_108 = tpu.vector_load %arg7[%swap3A_107] {strides = array<i32>} : memref<64xi32, #tpu.memory_space<vmem>>, vector<16xi32>,
    %swap3A_109 = vector.shape_cast %swap3A_108 : vector<16xi32> to vector<16xi32>
    %swap3A_110 = vector.shape_cast %add3A_106 : vector<16xi32> to vector<16xi32>
    tpu.vector_store %arg7[%swap3A_107], %swap3A_110 {strides = array<i32>} : memref<64xi32, #tpu.memory_space<vmem>>, vector<16xi32>,
    %get3A_111 = arith.constant 0 : i32
    %get3A_112 = arith.index_cast %get3A_111 : i32 to index
    %get3A_113 = arith.constant 96 : index
    %get3A_114 = tpu.vector_load %arg5[%get3A_112, %get3A_113] {strides = array<i32>} : memref<2x512xi32, #tpu.memory_space<vmem>>, vector<1x16xi32>,
    %get3A_115 = vector.shape_cast %get3A_114 : vector<1x16xi32> to vector<16xi32>
    %get3A_116 = arith.constant 1 : i32
    %get3A_117 = arith.index_cast %get3A_116 : i32 to index
    %get3A_118 = arith.constant 96 : index
    %get3A_119 = tpu.vector_load %arg5[%get3A_117, %get3A_118] {strides = array<i32>} : memref<2x512xi32, #tpu.memory_space<vmem>>, vector<1x16xi32>,
    %get3A_120 = vector.shape_cast %get3A_119 : vector<1x16xi32> to vector<16xi32>
    %mul3A_121 = arith.constant 250 : i32
    %mul3A_122 = vector.broadcast %mul3A_121 : i32 to vector<16xi32>
    %mul3A_123 = arith.muli %get3A_120, %mul3A_122 : vector<16xi32>
    %add3A_124 = arith.addi %mul3A_123, %get3A_115 : vector<16xi32>
    %swap3A_125 = arith.constant 32 : index
    %swap3A_126 = tpu.vector_load %arg7[%swap3A_125] {strides = array<i32>} : memref<64xi32, #tpu.memory_space<vmem>>, vector<16xi32>,
    %swap3A_127 = vector.shape_cast %swap3A_126 : vector<16xi32> to vector<16xi32>
    %swap3A_128 = vector.shape_cast %add3A_124 : vector<16xi32> to vector<16xi32>
    tpu.vector_store %arg7[%swap3A_125], %swap3A_128 {strides = array<i32>} : memref<64xi32, #tpu.memory_space<vmem>>, vector<16xi32>,
    %get3A_129 = arith.constant 0 : i32
    %get3A_130 = arith.index_cast %get3A_129 : i32 to index
    %get3A_131 = arith.constant 112 : index
    %get3A_132 = tpu.vector_load %arg5[%get3A_130, %get3A_131] {strides = array<i32>} : memref<2x512xi32, #tpu.memory_space<vmem>>, vector<1x16xi32>,
    %get3A_133 = vector.shape_cast %get3A_132 : vector<1x16xi32> to vector<16xi32>
    %get3A_134 = arith.constant 1 : i32
    %get3A_135 = arith.index_cast %get3A_134 : i32 to index
    %get3A_136 = arith.constant 112 : index
    %get3A_137 = tpu.vector_load %arg5[%get3A_135, %get3A_136] {strides = array<i32>} : memref<2x512xi32, #tpu.memory_space<vmem>>, vector<1x16xi32>,
    %get3A_138 = vector.shape_cast %get3A_137 : vector<1x16xi32> to vector<16xi32>
    %mul3A_139 = arith.constant 250 : i32
    %mul3A_140 = vector.broadcast %mul3A_139 : i32 to vector<16xi32>
    %mul3A_141 = arith.muli %get3A_138, %mul3A_140 : vector<16xi32>
    %add3A_142 = arith.addi %mul3A_141, %get3A_133 : vector<16xi32>
    %swap3A_143 = arith.constant 48 : index
    %swap3A_144 = tpu.vector_load %arg7[%swap3A_143] {strides = array<i32>} : memref<64xi32, #tpu.memory_space<vmem>>, vector<16xi32>,
    %swap3A_145 = vector.shape_cast %swap3A_144 : vector<16xi32> to vector<16xi32>
    %swap3A_146 = vector.shape_cast %add3A_142 : vector<16xi32> to vector<16xi32>
    tpu.vector_store %arg7[%swap3A_143], %swap3A_146 {strides = array<i32>} : memref<64xi32, #tpu.memory_space<vmem>>, vector<16xi32>,
    %dma_start3A_147 = arith.constant 0 : i32
    %dma_start3A_148 = arith.constant 0 : i32
    %dma_start3A_149 = tpu.memref_slice %arg2[%dma_start3A_147, %dma_start3A_148] : memref<2000x128xi32, #tpu.memory_space<hbm>> -> memref<2000x128xi32, #tpu.memory_space<hbm>>
    tpu.enqueue_indirect_dma source(%dma_start3A_149 : memref<2000x128xi32, #tpu.memory_space<hbm>>) target(%arg15 : memref<64x128xi32, #tpu.memory_space<vmem>>) offsets(%arg7 : memref<64xi32, #tpu.memory_space<vmem>>) semaphore(%arg23 : memref<!tpu.dma_semaphore, #tpu.memory_space<semaphore_mem>>)
    %get3A_150 = arith.constant 0 : i32
    %get3A_151 = arith.index_cast %get3A_150 : i32 to index
    %get3A_152 = arith.constant 128 : index
    %get3A_153 = tpu.vector_load %arg5[%get3A_151, %get3A_152] {strides = array<i32>} : memref<2x512xi32, #tpu.memory_space<vmem>>, vector<1x16xi32>,
    %get3A_154 = vector.shape_cast %get3A_153 : vector<1x16xi32> to vector<16xi32>
    %get3A_155 = arith.constant 1 : i32
    %get3A_156 = arith.index_cast %get3A_155 : i32 to index
    %get3A_157 = arith.constant 128 : index
    %get3A_158 = tpu.vector_load %arg5[%get3A_156, %get3A_157] {strides = array<i32>} : memref<2x512xi32, #tpu.memory_space<vmem>>, vector<1x16xi32>,
    %get3A_159 = vector.shape_cast %get3A_158 : vector<1x16xi32> to vector<16xi32>
    %mul3A_160 = arith.constant 250 : i32
    %mul3A_161 = vector.broadcast %mul3A_160 : i32 to vector<16xi32>
    %mul3A_162 = arith.muli %get3A_159, %mul3A_161 : vector<16xi32>
    %add3A_163 = arith.addi %mul3A_162, %get3A_154 : vector<16xi32>
    %swap3A_164 = arith.constant 0 : index
    %swap3A_165 = tpu.vector_load %arg8[%swap3A_164] {strides = array<i32>} : memref<64xi32, #tpu.memory_space<vmem>>, vector<16xi32>,
    %swap3A_166 = vector.shape_cast %swap3A_165 : vector<16xi32> to vector<16xi32>
    %swap3A_167 = vector.shape_cast %add3A_163 : vector<16xi32> to vector<16xi32>
    tpu.vector_store %arg8[%swap3A_164], %swap3A_167 {strides = array<i32>} : memref<64xi32, #tpu.memory_space<vmem>>, vector<16xi32>,
    %get3A_168 = arith.constant 0 : i32
    %get3A_169 = arith.index_cast %get3A_168 : i32 to index
    %get3A_170 = arith.constant 144 : index
    %get3A_171 = tpu.vector_load %arg5[%get3A_169, %get3A_170] {strides = array<i32>} : memref<2x512xi32, #tpu.memory_space<vmem>>, vector<1x16xi32>,
    %get3A_172 = vector.shape_cast %get3A_171 : vector<1x16xi32> to vector<16xi32>
    %get3A_173 = arith.constant 1 : i32
    %get3A_174 = arith.index_cast %get3A_173 : i32 to index
    %get3A_175 = arith.constant 144 : index
    %get3A_176 = tpu.vector_load %arg5[%get3A_174, %get3A_175] {strides = array<i32>} : memref<2x512xi32, #tpu.memory_space<vmem>>, vector<1x16xi32>,
    %get3A_177 = vector.shape_cast %get3A_176 : vector<1x16xi32> to vector<16xi32>
    %mul3A_178 = arith.constant 250 : i32
    %mul3A_179 = vector.broadcast %mul3A_178 : i32 to vector<16xi32>
    %mul3A_180 = arith.muli %get3A_177, %mul3A_179 : vector<16xi32>
    %add3A_181 = arith.addi %mul3A_180, %get3A_172 : vector<16xi32>
    %swap3A_182 = arith.constant 16 : index
    %swap3A_183 = tpu.vector_load %arg8[%swap3A_182] {strides = array<i32>} : memref<64xi32, #tpu.memory_space<vmem>>, vector<16xi32>,
    %swap3A_184 = vector.shape_cast %swap3A_183 : vector<16xi32> to vector<16xi32>
    %swap3A_185 = vector.shape_cast %add3A_181 : vector<16xi32> to vector<16xi32>
    tpu.vector_store %arg8[%swap3A_182], %swap3A_185 {strides = array<i32>} : memref<64xi32, #tpu.memory_space<vmem>>, vector<16xi32>,
    %get3A_186 = arith.constant 0 : i32
    %get3A_187 = arith.index_cast %get3A_186 : i32 to index
    %get3A_188 = arith.constant 160 : index
    %get3A_189 = tpu.vector_load %arg5[%get3A_187, %get3A_188] {strides = array<i32>} : memref<2x512xi32, #tpu.memory_space<vmem>>, vector<1x16xi32>,
    %get3A_190 = vector.shape_cast %get3A_189 : vector<1x16xi32> to vector<16xi32>
    %get3A_191 = arith.constant 1 : i32
    %get3A_192 = arith.index_cast %get3A_191 : i32 to index
    %get3A_193 = arith.constant 160 : index
    %get3A_194 = tpu.vector_load %arg5[%get3A_192, %get3A_193] {strides = array<i32>} : memref<2x512xi32, #tpu.memory_space<vmem>>, vector<1x16xi32>,
    %get3A_195 = vector.shape_cast %get3A_194 : vector<1x16xi32> to vector<16xi32>
    %mul3A_196 = arith.constant 250 : i32
    %mul3A_197 = vector.broadcast %mul3A_196 : i32 to vector<16xi32>
    %mul3A_198 = arith.muli %get3A_195, %mul3A_197 : vector<16xi32>
    %add3A_199 = arith.addi %mul3A_198, %get3A_190 : vector<16xi32>
    %swap3A_200 = arith.constant 32 : index
    %swap3A_201 = tpu.vector_load %arg8[%swap3A_200] {strides = array<i32>} : memref<64xi32, #tpu.memory_space<vmem>>, vector<16xi32>,
    %swap3A_202 = vector.shape_cast %swap3A_201 : vector<16xi32> to vector<16xi32>
    %swap3A_203 = vector.shape_cast %add3A_199 : vector<16xi32> to vector<16xi32>
    tpu.vector_store %arg8[%swap3A_200], %swap3A_203 {strides = array<i32>} : memref<64xi32, #tpu.memory_space<vmem>>, vector<16xi32>,
    %get3A_204 = arith.constant 0 : i32
    %get3A_205 = arith.index_cast %get3A_204 : i32 to index
    %get3A_206 = arith.constant 176 : index
    %get3A_207 = tpu.vector_load %arg5[%get3A_205, %get3A_206] {strides = array<i32>} : memref<2x512xi32, #tpu.memory_space<vmem>>, vector<1x16xi32>,
    %get3A_208 = vector.shape_cast %get3A_207 : vector<1x16xi32> to vector<16xi32>
    %get3A_209 = arith.constant 1 : i32
    %get3A_210 = arith.index_cast %get3A_209 : i32 to index
    %get3A_211 = arith.constant 176 : index
    %get3A_212 = tpu.vector_load %arg5[%get3A_210, %get3A_211] {strides = array<i32>} : memref<2x512xi32, #tpu.memory_space<vmem>>, vector<1x16xi32>,
    %get3A_213 = vector.shape_cast %get3A_212 : vector<1x16xi32> to vector<16xi32>
    %mul3A_214 = arith.constant 250 : i32
    %mul3A_215 = vector.broadcast %mul3A_214 : i32 to vector<16xi32>
    %mul3A_216 = arith.muli %get3A_213, %mul3A_215 : vector<16xi32>
    %add3A_217 = arith.addi %mul3A_216, %get3A_208 : vector<16xi32>
    %swap3A_218 = arith.constant 48 : index
    %swap3A_219 = tpu.vector_load %arg8[%swap3A_218] {strides = array<i32>} : memref<64xi32, #tpu.memory_space<vmem>>, vector<16xi32>,
    %swap3A_220 = vector.shape_cast %swap3A_219 : vector<16xi32> to vector<16xi32>
    %swap3A_221 = vector.shape_cast %add3A_217 : vector<16xi32> to vector<16xi32>
    tpu.vector_store %arg8[%swap3A_218], %swap3A_221 {strides = array<i32>} : memref<64xi32, #tpu.memory_space<vmem>>, vector<16xi32>,
    %dma_start3A_222 = arith.constant 0 : i32
    %dma_start3A_223 = arith.constant 0 : i32
    %dma_start3A_224 = tpu.memref_slice %arg2[%dma_start3A_222, %dma_start3A_223] : memref<2000x128xi32, #tpu.memory_space<hbm>> -> memref<2000x128xi32, #tpu.memory_space<hbm>>
    tpu.enqueue_indirect_dma source(%dma_start3A_224 : memref<2000x128xi32, #tpu.memory_space<hbm>>) target(%arg16 : memref<64x128xi32, #tpu.memory_space<vmem>>) offsets(%arg8 : memref<64xi32, #tpu.memory_space<vmem>>) semaphore(%arg24 : memref<!tpu.dma_semaphore, #tpu.memory_space<semaphore_mem>>)
    %get3A_225 = arith.constant 0 : i32
    %get3A_226 = arith.index_cast %get3A_225 : i32 to index
    %get3A_227 = arith.constant 192 : index
    %get3A_228 = tpu.vector_load %arg5[%get3A_226, %get3A_227] {strides = array<i32>} : memref<2x512xi32, #tpu.memory_space<vmem>>, vector<1x16xi32>,
    %get3A_229 = vector.shape_cast %get3A_228 : vector<1x16xi32> to vector<16xi32>
    %get3A_230 = arith.constant 1 : i32
    %get3A_231 = arith.index_cast %get3A_230 : i32 to index
    %get3A_232 = arith.constant 192 : index
    %get3A_233 = tpu.vector_load %arg5[%get3A_231, %get3A_232] {strides = array<i32>} : memref<2x512xi32, #tpu.memory_space<vmem>>, vector<1x16xi32>,
    %get3A_234 = vector.shape_cast %get3A_233 : vector<1x16xi32> to vector<16xi32>
    %mul3A_235 = arith.constant 250 : i32
    %mul3A_236 = vector.broadcast %mul3A_235 : i32 to vector<16xi32>
    %mul3A_237 = arith.muli %get3A_234, %mul3A_236 : vector<16xi32>
    %add3A_238 = arith.addi %mul3A_237, %get3A_229 : vector<16xi32>
    %swap3A_239 = arith.constant 0 : index
    %swap3A_240 = tpu.vector_load %arg9[%swap3A_239] {strides = array<i32>} : memref<64xi32, #tpu.memory_space<vmem>>, vector<16xi32>,
    %swap3A_241 = vector.shape_cast %swap3A_240 : vector<16xi32> to vector<16xi32>
    %swap3A_242 = vector.shape_cast %add3A_238 : vector<16xi32> to vector<16xi32>
    tpu.vector_store %arg9[%swap3A_239], %swap3A_242 {strides = array<i32>} : memref<64xi32, #tpu.memory_space<vmem>>, vector<16xi32>,
    %get3A_243 = arith.constant 0 : i32
    %get3A_244 = arith.index_cast %get3A_243 : i32 to index
    %get3A_245 = arith.constant 208 : index
    %get3A_246 = tpu.vector_load %arg5[%get3A_244, %get3A_245] {strides = array<i32>} : memref<2x512xi32, #tpu.memory_space<vmem>>, vector<1x16xi32>,
    %get3A_247 = vector.shape_cast %get3A_246 : vector<1x16xi32> to vector<16xi32>
    %get3A_248 = arith.constant 1 : i32
    %get3A_249 = arith.index_cast %get3A_248 : i32 to index
    %get3A_250 = arith.constant 208 : index
    %get3A_251 = tpu.vector_load %arg5[%get3A_249, %get3A_250] {strides = array<i32>} : memref<2x512xi32, #tpu.memory_space<vmem>>, vector<1x16xi32>,
    %get3A_252 = vector.shape_cast %get3A_251 : vector<1x16xi32> to vector<16xi32>
    %mul3A_253 = arith.constant 250 : i32
    %mul3A_254 = vector.broadcast %mul3A_253 : i32 to vector<16xi32>
    %mul3A_255 = arith.muli %get3A_252, %mul3A_254 : vector<16xi32>
    %add3A_256 = arith.addi %mul3A_255, %get3A_247 : vector<16xi32>
    %swap3A_257 = arith.constant 16 : index
    %swap3A_258 = tpu.vector_load %arg9[%swap3A_257] {strides = array<i32>} : memref<64xi32, #tpu.memory_space<vmem>>, vector<16xi32>,
    %swap3A_259 = vector.shape_cast %swap3A_258 : vector<16xi32> to vector<16xi32>
    %swap3A_260 = vector.shape_cast %add3A_256 : vector<16xi32> to vector<16xi32>
    tpu.vector_store %arg9[%swap3A_257], %swap3A_260 {strides = array<i32>} : memref<64xi32, #tpu.memory_space<vmem>>, vector<16xi32>,
    %get3A_261 = arith.constant 0 : i32
    %get3A_262 = arith.index_cast %get3A_261 : i32 to index
    %get3A_263 = arith.constant 224 : index
    %get3A_264 = tpu.vector_load %arg5[%get3A_262, %get3A_263] {strides = array<i32>} : memref<2x512xi32, #tpu.memory_space<vmem>>, vector<1x16xi32>,
    %get3A_265 = vector.shape_cast %get3A_264 : vector<1x16xi32> to vector<16xi32>
    %get3A_266 = arith.constant 1 : i32
    %get3A_267 = arith.index_cast %get3A_266 : i32 to index
    %get3A_268 = arith.constant 224 : index
    %get3A_269 = tpu.vector_load %arg5[%get3A_267, %get3A_268] {strides = array<i32>} : memref<2x512xi32, #tpu.memory_space<vmem>>, vector<1x16xi32>,
    %get3A_270 = vector.shape_cast %get3A_269 : vector<1x16xi32> to vector<16xi32>
    %mul3A_271 = arith.constant 250 : i32
    %mul3A_272 = vector.broadcast %mul3A_271 : i32 to vector<16xi32>
    %mul3A_273 = arith.muli %get3A_270, %mul3A_272 : vector<16xi32>
    %add3A_274 = arith.addi %mul3A_273, %get3A_265 : vector<16xi32>
    %swap3A_275 = arith.constant 32 : index
    %swap3A_276 = tpu.vector_load %arg9[%swap3A_275] {strides = array<i32>} : memref<64xi32, #tpu.memory_space<vmem>>, vector<16xi32>,
    %swap3A_277 = vector.shape_cast %swap3A_276 : vector<16xi32> to vector<16xi32>
    %swap3A_278 = vector.shape_cast %add3A_274 : vector<16xi32> to vector<16xi32>
    tpu.vector_store %arg9[%swap3A_275], %swap3A_278 {strides = array<i32>} : memref<64xi32, #tpu.memory_space<vmem>>, vector<16xi32>,
    %get3A_279 = arith.constant 0 : i32
    %get3A_280 = arith.index_cast %get3A_279 : i32 to index
    %get3A_281 = arith.constant 240 : index
    %get3A_282 = tpu.vector_load %arg5[%get3A_280, %get3A_281] {strides = array<i32>} : memref<2x512xi32, #tpu.memory_space<vmem>>, vector<1x16xi32>,
    %get3A_283 = vector.shape_cast %get3A_282 : vector<1x16xi32> to vector<16xi32>
    %get3A_284 = arith.constant 1 : i32
    %get3A_285 = arith.index_cast %get3A_284 : i32 to index
    %get3A_286 = arith.constant 240 : index
    %get3A_287 = tpu.vector_load %arg5[%get3A_285, %get3A_286] {strides = array<i32>} : memref<2x512xi32, #tpu.memory_space<vmem>>, vector<1x16xi32>,
    %get3A_288 = vector.shape_cast %get3A_287 : vector<1x16xi32> to vector<16xi32>
    %mul3A_289 = arith.constant 250 : i32
    %mul3A_290 = vector.broadcast %mul3A_289 : i32 to vector<16xi32>
    %mul3A_291 = arith.muli %get3A_288, %mul3A_290 : vector<16xi32>
    %add3A_292 = arith.addi %mul3A_291, %get3A_283 : vector<16xi32>
    %swap3A_293 = arith.constant 48 : index
    %swap3A_294 = tpu.vector_load %arg9[%swap3A_293] {strides = array<i32>} : memref<64xi32, #tpu.memory_space<vmem>>, vector<16xi32>,
    %swap3A_295 = vector.shape_cast %swap3A_294 : vector<16xi32> to vector<16xi32>
    %swap3A_296 = vector.shape_cast %add3A_292 : vector<16xi32> to vector<16xi32>
    tpu.vector_store %arg9[%swap3A_293], %swap3A_296 {strides = array<i32>} : memref<64xi32, #tpu.memory_space<vmem>>, vector<16xi32>,
    %dma_start3A_297 = arith.constant 0 : i32
    %dma_start3A_298 = arith.constant 0 : i32
    %dma_start3A_299 = tpu.memref_slice %arg2[%dma_start3A_297, %dma_start3A_298] : memref<2000x128xi32, #tpu.memory_space<hbm>> -> memref<2000x128xi32, #tpu.memory_space<hbm>>
    tpu.enqueue_indirect_dma source(%dma_start3A_299 : memref<2000x128xi32, #tpu.memory_space<hbm>>) target(%arg17 : memref<64x128xi32, #tpu.memory_space<vmem>>) offsets(%arg9 : memref<64xi32, #tpu.memory_space<vmem>>) semaphore(%arg25 : memref<!tpu.dma_semaphore, #tpu.memory_space<semaphore_mem>>)
    %get3A_300 = arith.constant 0 : i32
    %get3A_301 = arith.index_cast %get3A_300 : i32 to index
    %get3A_302 = arith.constant 256 : index
    %get3A_303 = tpu.vector_load %arg5[%get3A_301, %get3A_302] {strides = array<i32>} : memref<2x512xi32, #tpu.memory_space<vmem>>, vector<1x16xi32>,
    %get3A_304 = vector.shape_cast %get3A_303 : vector<1x16xi32> to vector<16xi32>
    %get3A_305 = arith.constant 1 : i32
    %get3A_306 = arith.index_cast %get3A_305 : i32 to index
    %get3A_307 = arith.constant 256 : index
    %get3A_308 = tpu.vector_load %arg5[%get3A_306, %get3A_307] {strides = array<i32>} : memref<2x512xi32, #tpu.memory_space<vmem>>, vector<1x16xi32>,
    %get3A_309 = vector.shape_cast %get3A_308 : vector<1x16xi32> to vector<16xi32>
    %mul3A_310 = arith.constant 250 : i32
    %mul3A_311 = vector.broadcast %mul3A_310 : i32 to vector<16xi32>
    %mul3A_312 = arith.muli %get3A_309, %mul3A_311 : vector<16xi32>
    %add3A_313 = arith.addi %mul3A_312, %get3A_304 : vector<16xi32>
    %swap3A_314 = arith.constant 0 : index
    %swap3A_315 = tpu.vector_load %arg10[%swap3A_314] {strides = array<i32>} : memref<64xi32, #tpu.memory_space<vmem>>, vector<16xi32>,
    %swap3A_316 = vector.shape_cast %swap3A_315 : vector<16xi32> to vector<16xi32>
    %swap3A_317 = vector.shape_cast %add3A_313 : vector<16xi32> to vector<16xi32>
    tpu.vector_store %arg10[%swap3A_314], %swap3A_317 {strides = array<i32>} : memref<64xi32, #tpu.memory_space<vmem>>, vector<16xi32>,
    %get3A_318 = arith.constant 0 : i32
    %get3A_319 = arith.index_cast %get3A_318 : i32 to index
    %get3A_320 = arith.constant 272 : index
    %get3A_321 = tpu.vector_load %arg5[%get3A_319, %get3A_320] {strides = array<i32>} : memref<2x512xi32, #tpu.memory_space<vmem>>, vector<1x16xi32>,
    %get3A_322 = vector.shape_cast %get3A_321 : vector<1x16xi32> to vector<16xi32>
    %get3A_323 = arith.constant 1 : i32
    %get3A_324 = arith.index_cast %get3A_323 : i32 to index
    %get3A_325 = arith.constant 272 : index
    %get3A_326 = tpu.vector_load %arg5[%get3A_324, %get3A_325] {strides = array<i32>} : memref<2x512xi32, #tpu.memory_space<vmem>>, vector<1x16xi32>,
    %get3A_327 = vector.shape_cast %get3A_326 : vector<1x16xi32> to vector<16xi32>
    %mul3A_328 = arith.constant 250 : i32
    %mul3A_329 = vector.broadcast %mul3A_328 : i32 to vector<16xi32>
    %mul3A_330 = arith.muli %get3A_327, %mul3A_329 : vector<16xi32>
    %add3A_331 = arith.addi %mul3A_330, %get3A_322 : vector<16xi32>
    %swap3A_332 = arith.constant 16 : index
    %swap3A_333 = tpu.vector_load %arg10[%swap3A_332] {strides = array<i32>} : memref<64xi32, #tpu.memory_space<vmem>>, vector<16xi32>,
    %swap3A_334 = vector.shape_cast %swap3A_333 : vector<16xi32> to vector<16xi32>
    %swap3A_335 = vector.shape_cast %add3A_331 : vector<16xi32> to vector<16xi32>
    tpu.vector_store %arg10[%swap3A_332], %swap3A_335 {strides = array<i32>} : memref<64xi32, #tpu.memory_space<vmem>>, vector<16xi32>,
    %get3A_336 = arith.constant 0 : i32
    %get3A_337 = arith.index_cast %get3A_336 : i32 to index
    %get3A_338 = arith.constant 288 : index
    %get3A_339 = tpu.vector_load %arg5[%get3A_337, %get3A_338] {strides = array<i32>} : memref<2x512xi32, #tpu.memory_space<vmem>>, vector<1x16xi32>,
    %get3A_340 = vector.shape_cast %get3A_339 : vector<1x16xi32> to vector<16xi32>
    %get3A_341 = arith.constant 1 : i32
    %get3A_342 = arith.index_cast %get3A_341 : i32 to index
    %get3A_343 = arith.constant 288 : index
    %get3A_344 = tpu.vector_load %arg5[%get3A_342, %get3A_343] {strides = array<i32>} : memref<2x512xi32, #tpu.memory_space<vmem>>, vector<1x16xi32>,
    %get3A_345 = vector.shape_cast %get3A_344 : vector<1x16xi32> to vector<16xi32>
    %mul3A_346 = arith.constant 250 : i32
    %mul3A_347 = vector.broadcast %mul3A_346 : i32 to vector<16xi32>
    %mul3A_348 = arith.muli %get3A_345, %mul3A_347 : vector<16xi32>
    %add3A_349 = arith.addi %mul3A_348, %get3A_340 : vector<16xi32>
    %swap3A_350 = arith.constant 32 : index
    %swap3A_351 = tpu.vector_load %arg10[%swap3A_350] {strides = array<i32>} : memref<64xi32, #tpu.memory_space<vmem>>, vector<16xi32>,
    %swap3A_352 = vector.shape_cast %swap3A_351 : vector<16xi32> to vector<16xi32>
    %swap3A_353 = vector.shape_cast %add3A_349 : vector<16xi32> to vector<16xi32>
    tpu.vector_store %arg10[%swap3A_350], %swap3A_353 {strides = array<i32>} : memref<64xi32, #tpu.memory_space<vmem>>, vector<16xi32>,
    %get3A_354 = arith.constant 0 : i32
    %get3A_355 = arith.index_cast %get3A_354 : i32 to index
    %get3A_356 = arith.constant 304 : index
    %get3A_357 = tpu.vector_load %arg5[%get3A_355, %get3A_356] {strides = array<i32>} : memref<2x512xi32, #tpu.memory_space<vmem>>, vector<1x16xi32>,
    %get3A_358 = vector.shape_cast %get3A_357 : vector<1x16xi32> to vector<16xi32>
    %get3A_359 = arith.constant 1 : i32
    %get3A_360 = arith.index_cast %get3A_359 : i32 to index
    %get3A_361 = arith.constant 304 : index
    %get3A_362 = tpu.vector_load %arg5[%get3A_360, %get3A_361] {strides = array<i32>} : memref<2x512xi32, #tpu.memory_space<vmem>>, vector<1x16xi32>,
    %get3A_363 = vector.shape_cast %get3A_362 : vector<1x16xi32> to vector<16xi32>
    %mul3A_364 = arith.constant 250 : i32
    %mul3A_365 = vector.broadcast %mul3A_364 : i32 to vector<16xi32>
    %mul3A_366 = arith.muli %get3A_363, %mul3A_365 : vector<16xi32>
    %add3A_367 = arith.addi %mul3A_366, %get3A_358 : vector<16xi32>
    %swap3A_368 = arith.constant 48 : index
    %swap3A_369 = tpu.vector_load %arg10[%swap3A_368] {strides = array<i32>} : memref<64xi32, #tpu.memory_space<vmem>>, vector<16xi32>,
    %swap3A_370 = vector.shape_cast %swap3A_369 : vector<16xi32> to vector<16xi32>
    %swap3A_371 = vector.shape_cast %add3A_367 : vector<16xi32> to vector<16xi32>
    tpu.vector_store %arg10[%swap3A_368], %swap3A_371 {strides = array<i32>} : memref<64xi32, #tpu.memory_space<vmem>>, vector<16xi32>,
    %dma_start3A_372 = arith.constant 0 : i32
    %dma_start3A_373 = arith.constant 0 : i32
    %dma_start3A_374 = tpu.memref_slice %arg2[%dma_start3A_372, %dma_start3A_373] : memref<2000x128xi32, #tpu.memory_space<hbm>> -> memref<2000x128xi32, #tpu.memory_space<hbm>>
    tpu.enqueue_indirect_dma source(%dma_start3A_374 : memref<2000x128xi32, #tpu.memory_space<hbm>>) target(%arg18 : memref<64x128xi32, #tpu.memory_space<vmem>>) offsets(%arg10 : memref<64xi32, #tpu.memory_space<vmem>>) semaphore(%arg26 : memref<!tpu.dma_semaphore, #tpu.memory_space<semaphore_mem>>)
    %get3A_375 = arith.constant 0 : i32
    %get3A_376 = arith.index_cast %get3A_375 : i32 to index
    %get3A_377 = arith.constant 320 : index
    %get3A_378 = tpu.vector_load %arg5[%get3A_376, %get3A_377] {strides = array<i32>} : memref<2x512xi32, #tpu.memory_space<vmem>>, vector<1x16xi32>,
    %get3A_379 = vector.shape_cast %get3A_378 : vector<1x16xi32> to vector<16xi32>
    %get3A_380 = arith.constant 1 : i32
    %get3A_381 = arith.index_cast %get3A_380 : i32 to index
    %get3A_382 = arith.constant 320 : index
    %get3A_383 = tpu.vector_load %arg5[%get3A_381, %get3A_382] {strides = array<i32>} : memref<2x512xi32, #tpu.memory_space<vmem>>, vector<1x16xi32>,
    %get3A_384 = vector.shape_cast %get3A_383 : vector<1x16xi32> to vector<16xi32>
    %mul3A_385 = arith.constant 250 : i32
    %mul3A_386 = vector.broadcast %mul3A_385 : i32 to vector<16xi32>
    %mul3A_387 = arith.muli %get3A_384, %mul3A_386 : vector<16xi32>
    %add3A_388 = arith.addi %mul3A_387, %get3A_379 : vector<16xi32>
    %swap3A_389 = arith.constant 0 : index
    %swap3A_390 = tpu.vector_load %arg11[%swap3A_389] {strides = array<i32>} : memref<64xi32, #tpu.memory_space<vmem>>, vector<16xi32>,
    %swap3A_391 = vector.shape_cast %swap3A_390 : vector<16xi32> to vector<16xi32>
    %swap3A_392 = vector.shape_cast %add3A_388 : vector<16xi32> to vector<16xi32>
    tpu.vector_store %arg11[%swap3A_389], %swap3A_392 {strides = array<i32>} : memref<64xi32, #tpu.memory_space<vmem>>, vector<16xi32>,
    %get3A_393 = arith.constant 0 : i32
    %get3A_394 = arith.index_cast %get3A_393 : i32 to index
    %get3A_395 = arith.constant 336 : index
    %get3A_396 = tpu.vector_load %arg5[%get3A_394, %get3A_395] {strides = array<i32>} : memref<2x512xi32, #tpu.memory_space<vmem>>, vector<1x16xi32>,
    %get3A_397 = vector.shape_cast %get3A_396 : vector<1x16xi32> to vector<16xi32>
    %get3A_398 = arith.constant 1 : i32
    %get3A_399 = arith.index_cast %get3A_398 : i32 to index
    %get3A_400 = arith.constant 336 : index
    %get3A_401 = tpu.vector_load %arg5[%get3A_399, %get3A_400] {strides = array<i32>} : memref<2x512xi32, #tpu.memory_space<vmem>>, vector<1x16xi32>,
    %get3A_402 = vector.shape_cast %get3A_401 : vector<1x16xi32> to vector<16xi32>
    %mul3A_403 = arith.constant 250 : i32
    %mul3A_404 = vector.broadcast %mul3A_403 : i32 to vector<16xi32>
    %mul3A_405 = arith.muli %get3A_402, %mul3A_404 : vector<16xi32>
    %add3A_406 = arith.addi %mul3A_405, %get3A_397 : vector<16xi32>
    %swap3A_407 = arith.constant 16 : index
    %swap3A_408 = tpu.vector_load %arg11[%swap3A_407] {strides = array<i32>} : memref<64xi32, #tpu.memory_space<vmem>>, vector<16xi32>,
    %swap3A_409 = vector.shape_cast %swap3A_408 : vector<16xi32> to vector<16xi32>
    %swap3A_410 = vector.shape_cast %add3A_406 : vector<16xi32> to vector<16xi32>
    tpu.vector_store %arg11[%swap3A_407], %swap3A_410 {strides = array<i32>} : memref<64xi32, #tpu.memory_space<vmem>>, vector<16xi32>,
    %get3A_411 = arith.constant 0 : i32
    %get3A_412 = arith.index_cast %get3A_411 : i32 to index
    %get3A_413 = arith.constant 352 : index
    %get3A_414 = tpu.vector_load %arg5[%get3A_412, %get3A_413] {strides = array<i32>} : memref<2x512xi32, #tpu.memory_space<vmem>>, vector<1x16xi32>,
    %get3A_415 = vector.shape_cast %get3A_414 : vector<1x16xi32> to vector<16xi32>
    %get3A_416 = arith.constant 1 : i32
    %get3A_417 = arith.index_cast %get3A_416 : i32 to index
    %get3A_418 = arith.constant 352 : index
    %get3A_419 = tpu.vector_load %arg5[%get3A_417, %get3A_418] {strides = array<i32>} : memref<2x512xi32, #tpu.memory_space<vmem>>, vector<1x16xi32>,
    %get3A_420 = vector.shape_cast %get3A_419 : vector<1x16xi32> to vector<16xi32>
    %mul3A_421 = arith.constant 250 : i32
    %mul3A_422 = vector.broadcast %mul3A_421 : i32 to vector<16xi32>
    %mul3A_423 = arith.muli %get3A_420, %mul3A_422 : vector<16xi32>
    %add3A_424 = arith.addi %mul3A_423, %get3A_415 : vector<16xi32>
    %swap3A_425 = arith.constant 32 : index
    %swap3A_426 = tpu.vector_load %arg11[%swap3A_425] {strides = array<i32>} : memref<64xi32, #tpu.memory_space<vmem>>, vector<16xi32>,
    %swap3A_427 = vector.shape_cast %swap3A_426 : vector<16xi32> to vector<16xi32>
    %swap3A_428 = vector.shape_cast %add3A_424 : vector<16xi32> to vector<16xi32>
    tpu.vector_store %arg11[%swap3A_425], %swap3A_428 {strides = array<i32>} : memref<64xi32, #tpu.memory_space<vmem>>, vector<16xi32>,
    %get3A_429 = arith.constant 0 : i32
    %get3A_430 = arith.index_cast %get3A_429 : i32 to index
    %get3A_431 = arith.constant 368 : index
    %get3A_432 = tpu.vector_load %arg5[%get3A_430, %get3A_431] {strides = array<i32>} : memref<2x512xi32, #tpu.memory_space<vmem>>, vector<1x16xi32>,
    %get3A_433 = vector.shape_cast %get3A_432 : vector<1x16xi32> to vector<16xi32>
    %get3A_434 = arith.constant 1 : i32
    %get3A_435 = arith.index_cast %get3A_434 : i32 to index
    %get3A_436 = arith.constant 368 : index
    %get3A_437 = tpu.vector_load %arg5[%get3A_435, %get3A_436] {strides = array<i32>} : memref<2x512xi32, #tpu.memory_space<vmem>>, vector<1x16xi32>,
    %get3A_438 = vector.shape_cast %get3A_437 : vector<1x16xi32> to vector<16xi32>
    %mul3A_439 = arith.constant 250 : i32
    %mul3A_440 = vector.broadcast %mul3A_439 : i32 to vector<16xi32>
    %mul3A_441 = arith.muli %get3A_438, %mul3A_440 : vector<16xi32>
    %add3A_442 = arith.addi %mul3A_441, %get3A_433 : vector<16xi32>
    %swap3A_443 = arith.constant 48 : index
    %swap3A_444 = tpu.vector_load %arg11[%swap3A_443] {strides = array<i32>} : memref<64xi32, #tpu.memory_space<vmem>>, vector<16xi32>,
    %swap3A_445 = vector.shape_cast %swap3A_444 : vector<16xi32> to vector<16xi32>
    %swap3A_446 = vector.shape_cast %add3A_442 : vector<16xi32> to vector<16xi32>
    tpu.vector_store %arg11[%swap3A_443], %swap3A_446 {strides = array<i32>} : memref<64xi32, #tpu.memory_space<vmem>>, vector<16xi32>,
    %dma_start3A_447 = arith.constant 0 : i32
    %dma_start3A_448 = arith.constant 0 : i32
    %dma_start3A_449 = tpu.memref_slice %arg2[%dma_start3A_447, %dma_start3A_448] : memref<2000x128xi32, #tpu.memory_space<hbm>> -> memref<2000x128xi32, #tpu.memory_space<hbm>>
    tpu.enqueue_indirect_dma source(%dma_start3A_449 : memref<2000x128xi32, #tpu.memory_space<hbm>>) target(%arg19 : memref<64x128xi32, #tpu.memory_space<vmem>>) offsets(%arg11 : memref<64xi32, #tpu.memory_space<vmem>>) semaphore(%arg27 : memref<!tpu.dma_semaphore, #tpu.memory_space<semaphore_mem>>)
    %get3A_450 = arith.constant 0 : i32
    %get3A_451 = arith.index_cast %get3A_450 : i32 to index
    %get3A_452 = arith.constant 384 : index
    %get3A_453 = tpu.vector_load %arg5[%get3A_451, %get3A_452] {strides = array<i32>} : memref<2x512xi32, #tpu.memory_space<vmem>>, vector<1x16xi32>,
    %get3A_454 = vector.shape_cast %get3A_453 : vector<1x16xi32> to vector<16xi32>
    %get3A_455 = arith.constant 1 : i32
    %get3A_456 = arith.index_cast %get3A_455 : i32 to index
    %get3A_457 = arith.constant 384 : index
    %get3A_458 = tpu.vector_load %arg5[%get3A_456, %get3A_457] {strides = array<i32>} : memref<2x512xi32, #tpu.memory_space<vmem>>, vector<1x16xi32>,
    %get3A_459 = vector.shape_cast %get3A_458 : vector<1x16xi32> to vector<16xi32>
    %mul3A_460 = arith.constant 250 : i32
    %mul3A_461 = vector.broadcast %mul3A_460 : i32 to vector<16xi32>
    %mul3A_462 = arith.muli %get3A_459, %mul3A_461 : vector<16xi32>
    %add3A_463 = arith.addi %mul3A_462, %get3A_454 : vector<16xi32>
    %swap3A_464 = arith.constant 0 : index
    %swap3A_465 = tpu.vector_load %arg12[%swap3A_464] {strides = array<i32>} : memref<64xi32, #tpu.memory_space<vmem>>, vector<16xi32>,
    %swap3A_466 = vector.shape_cast %swap3A_465 : vector<16xi32> to vector<16xi32>
    %swap3A_467 = vector.shape_cast %add3A_463 : vector<16xi32> to vector<16xi32>
    tpu.vector_store %arg12[%swap3A_464], %swap3A_467 {strides = array<i32>} : memref<64xi32, #tpu.memory_space<vmem>>, vector<16xi32>,
    %get3A_468 = arith.constant 0 : i32
    %get3A_469 = arith.index_cast %get3A_468 : i32 to index
    %get3A_470 = arith.constant 400 : index
    %get3A_471 = tpu.vector_load %arg5[%get3A_469, %get3A_470] {strides = array<i32>} : memref<2x512xi32, #tpu.memory_space<vmem>>, vector<1x16xi32>,
    %get3A_472 = vector.shape_cast %get3A_471 : vector<1x16xi32> to vector<16xi32>
    %get3A_473 = arith.constant 1 : i32
    %get3A_474 = arith.index_cast %get3A_473 : i32 to index
    %get3A_475 = arith.constant 400 : index
    %get3A_476 = tpu.vector_load %arg5[%get3A_474, %get3A_475] {strides = array<i32>} : memref<2x512xi32, #tpu.memory_space<vmem>>, vector<1x16xi32>,
    %get3A_477 = vector.shape_cast %get3A_476 : vector<1x16xi32> to vector<16xi32>
    %mul3A_478 = arith.constant 250 : i32
    %mul3A_479 = vector.broadcast %mul3A_478 : i32 to vector<16xi32>
    %mul3A_480 = arith.muli %get3A_477, %mul3A_479 : vector<16xi32>
    %add3A_481 = arith.addi %mul3A_480, %get3A_472 : vector<16xi32>
    %swap3A_482 = arith.constant 16 : index
    %swap3A_483 = tpu.vector_load %arg12[%swap3A_482] {strides = array<i32>} : memref<64xi32, #tpu.memory_space<vmem>>, vector<16xi32>,
    %swap3A_484 = vector.shape_cast %swap3A_483 : vector<16xi32> to vector<16xi32>
    %swap3A_485 = vector.shape_cast %add3A_481 : vector<16xi32> to vector<16xi32>
    tpu.vector_store %arg12[%swap3A_482], %swap3A_485 {strides = array<i32>} : memref<64xi32, #tpu.memory_space<vmem>>, vector<16xi32>,
    %get3A_486 = arith.constant 0 : i32
    %get3A_487 = arith.index_cast %get3A_486 : i32 to index
    %get3A_488 = arith.constant 416 : index
    %get3A_489 = tpu.vector_load %arg5[%get3A_487, %get3A_488] {strides = array<i32>} : memref<2x512xi32, #tpu.memory_space<vmem>>, vector<1x16xi32>,
    %get3A_490 = vector.shape_cast %get3A_489 : vector<1x16xi32> to vector<16xi32>
    %get3A_491 = arith.constant 1 : i32
    %get3A_492 = arith.index_cast %get3A_491 : i32 to index
    %get3A_493 = arith.constant 416 : index
    %get3A_494 = tpu.vector_load %arg5[%get3A_492, %get3A_493] {strides = array<i32>} : memref<2x512xi32, #tpu.memory_space<vmem>>, vector<1x16xi32>,
    %get3A_495 = vector.shape_cast %get3A_494 : vector<1x16xi32> to vector<16xi32>
    %mul3A_496 = arith.constant 250 : i32
    %mul3A_497 = vector.broadcast %mul3A_496 : i32 to vector<16xi32>
    %mul3A_498 = arith.muli %get3A_495, %mul3A_497 : vector<16xi32>
    %add3A_499 = arith.addi %mul3A_498, %get3A_490 : vector<16xi32>
    %swap3A_500 = arith.constant 32 : index
    %swap3A_501 = tpu.vector_load %arg12[%swap3A_500] {strides = array<i32>} : memref<64xi32, #tpu.memory_space<vmem>>, vector<16xi32>,
    %swap3A_502 = vector.shape_cast %swap3A_501 : vector<16xi32> to vector<16xi32>
    %swap3A_503 = vector.shape_cast %add3A_499 : vector<16xi32> to vector<16xi32>
    tpu.vector_store %arg12[%swap3A_500], %swap3A_503 {strides = array<i32>} : memref<64xi32, #tpu.memory_space<vmem>>, vector<16xi32>,
    %get3A_504 = arith.constant 0 : i32
    %get3A_505 = arith.index_cast %get3A_504 : i32 to index
    %get3A_506 = arith.constant 432 : index
    %get3A_507 = tpu.vector_load %arg5[%get3A_505, %get3A_506] {strides = array<i32>} : memref<2x512xi32, #tpu.memory_space<vmem>>, vector<1x16xi32>,
    %get3A_508 = vector.shape_cast %get3A_507 : vector<1x16xi32> to vector<16xi32>
    %get3A_509 = arith.constant 1 : i32
    %get3A_510 = arith.index_cast %get3A_509 : i32 to index
    %get3A_511 = arith.constant 432 : index
    %get3A_512 = tpu.vector_load %arg5[%get3A_510, %get3A_511] {strides = array<i32>} : memref<2x512xi32, #tpu.memory_space<vmem>>, vector<1x16xi32>,
    %get3A_513 = vector.shape_cast %get3A_512 : vector<1x16xi32> to vector<16xi32>
    %mul3A_514 = arith.constant 250 : i32
    %mul3A_515 = vector.broadcast %mul3A_514 : i32 to vector<16xi32>
    %mul3A_516 = arith.muli %get3A_513, %mul3A_515 : vector<16xi32>
    %add3A_517 = arith.addi %mul3A_516, %get3A_508 : vector<16xi32>
    %swap3A_518 = arith.constant 48 : index
    %swap3A_519 = tpu.vector_load %arg12[%swap3A_518] {strides = array<i32>} : memref<64xi32, #tpu.memory_space<vmem>>, vector<16xi32>,
    %swap3A_520 = vector.shape_cast %swap3A_519 : vector<16xi32> to vector<16xi32>
    %swap3A_521 = vector.shape_cast %add3A_517 : vector<16xi32> to vector<16xi32>
    tpu.vector_store %arg12[%swap3A_518], %swap3A_521 {strides = array<i32>} : memref<64xi32, #tpu.memory_space<vmem>>, vector<16xi32>,
    %dma_start3A_522 = arith.constant 0 : i32
    %dma_start3A_523 = arith.constant 0 : i32
    %dma_start3A_524 = tpu.memref_slice %arg2[%dma_start3A_522, %dma_start3A_523] : memref<2000x128xi32, #tpu.memory_space<hbm>> -> memref<2000x128xi32, #tpu.memory_space<hbm>>
    tpu.enqueue_indirect_dma source(%dma_start3A_524 : memref<2000x128xi32, #tpu.memory_space<hbm>>) target(%arg20 : memref<64x128xi32, #tpu.memory_space<vmem>>) offsets(%arg12 : memref<64xi32, #tpu.memory_space<vmem>>) semaphore(%arg28 : memref<!tpu.dma_semaphore, #tpu.memory_space<semaphore_mem>>)
    %get3A_525 = arith.constant 0 : i32
    %get3A_526 = arith.index_cast %get3A_525 : i32 to index
    %get3A_527 = arith.constant 448 : index
    %get3A_528 = tpu.vector_load %arg5[%get3A_526, %get3A_527] {strides = array<i32>} : memref<2x512xi32, #tpu.memory_space<vmem>>, vector<1x16xi32>,
    %get3A_529 = vector.shape_cast %get3A_528 : vector<1x16xi32> to vector<16xi32>
    %get3A_530 = arith.constant 1 : i32
    %get3A_531 = arith.index_cast %get3A_530 : i32 to index
    %get3A_532 = arith.constant 448 : index
    %get3A_533 = tpu.vector_load %arg5[%get3A_531, %get3A_532] {strides = array<i32>} : memref<2x512xi32, #tpu.memory_space<vmem>>, vector<1x16xi32>,
    %get3A_534 = vector.shape_cast %get3A_533 : vector<1x16xi32> to vector<16xi32>
    %mul3A_535 = arith.constant 250 : i32
    %mul3A_536 = vector.broadcast %mul3A_535 : i32 to vector<16xi32>
    %mul3A_537 = arith.muli %get3A_534, %mul3A_536 : vector<16xi32>
    %add3A_538 = arith.addi %mul3A_537, %get3A_529 : vector<16xi32>
    %swap3A_539 = arith.constant 0 : index
    %swap3A_540 = tpu.vector_load %arg13[%swap3A_539] {strides = array<i32>} : memref<64xi32, #tpu.memory_space<vmem>>, vector<16xi32>,
    %swap3A_541 = vector.shape_cast %swap3A_540 : vector<16xi32> to vector<16xi32>
    %swap3A_542 = vector.shape_cast %add3A_538 : vector<16xi32> to vector<16xi32>
    tpu.vector_store %arg13[%swap3A_539], %swap3A_542 {strides = array<i32>} : memref<64xi32, #tpu.memory_space<vmem>>, vector<16xi32>,
    %get3A_543 = arith.constant 0 : i32
    %get3A_544 = arith.index_cast %get3A_543 : i32 to index
    %get3A_545 = arith.constant 464 : index
    %get3A_546 = tpu.vector_load %arg5[%get3A_544, %get3A_545] {strides = array<i32>} : memref<2x512xi32, #tpu.memory_space<vmem>>, vector<1x16xi32>,
    %get3A_547 = vector.shape_cast %get3A_546 : vector<1x16xi32> to vector<16xi32>
    %get3A_548 = arith.constant 1 : i32
    %get3A_549 = arith.index_cast %get3A_548 : i32 to index
    %get3A_550 = arith.constant 464 : index
    %get3A_551 = tpu.vector_load %arg5[%get3A_549, %get3A_550] {strides = array<i32>} : memref<2x512xi32, #tpu.memory_space<vmem>>, vector<1x16xi32>,
    %get3A_552 = vector.shape_cast %get3A_551 : vector<1x16xi32> to vector<16xi32>
    %mul3A_553 = arith.constant 250 : i32
    %mul3A_554 = vector.broadcast %mul3A_553 : i32 to vector<16xi32>
    %mul3A_555 = arith.muli %get3A_552, %mul3A_554 : vector<16xi32>
    %add3A_556 = arith.addi %mul3A_555, %get3A_547 : vector<16xi32>
    %swap3A_557 = arith.constant 16 : index
    %swap3A_558 = tpu.vector_load %arg13[%swap3A_557] {strides = array<i32>} : memref<64xi32, #tpu.memory_space<vmem>>, vector<16xi32>,
    %swap3A_559 = vector.shape_cast %swap3A_558 : vector<16xi32> to vector<16xi32>
    %swap3A_560 = vector.shape_cast %add3A_556 : vector<16xi32> to vector<16xi32>
    tpu.vector_store %arg13[%swap3A_557], %swap3A_560 {strides = array<i32>} : memref<64xi32, #tpu.memory_space<vmem>>, vector<16xi32>,
    %get3A_561 = arith.constant 0 : i32
    %get3A_562 = arith.index_cast %get3A_561 : i32 to index
    %get3A_563 = arith.constant 480 : index
    %get3A_564 = tpu.vector_load %arg5[%get3A_562, %get3A_563] {strides = array<i32>} : memref<2x512xi32, #tpu.memory_space<vmem>>, vector<1x16xi32>,
    %get3A_565 = vector.shape_cast %get3A_564 : vector<1x16xi32> to vector<16xi32>
    %get3A_566 = arith.constant 1 : i32
    %get3A_567 = arith.index_cast %get3A_566 : i32 to index
    %get3A_568 = arith.constant 480 : index
    %get3A_569 = tpu.vector_load %arg5[%get3A_567, %get3A_568] {strides = array<i32>} : memref<2x512xi32, #tpu.memory_space<vmem>>, vector<1x16xi32>,
    %get3A_570 = vector.shape_cast %get3A_569 : vector<1x16xi32> to vector<16xi32>
    %mul3A_571 = arith.constant 250 : i32
    %mul3A_572 = vector.broadcast %mul3A_571 : i32 to vector<16xi32>
    %mul3A_573 = arith.muli %get3A_570, %mul3A_572 : vector<16xi32>
    %add3A_574 = arith.addi %mul3A_573, %get3A_565 : vector<16xi32>
    %swap3A_575 = arith.constant 32 : index
    %swap3A_576 = tpu.vector_load %arg13[%swap3A_575] {strides = array<i32>} : memref<64xi32, #tpu.memory_space<vmem>>, vector<16xi32>,
    %swap3A_577 = vector.shape_cast %swap3A_576 : vector<16xi32> to vector<16xi32>
    %swap3A_578 = vector.shape_cast %add3A_574 : vector<16xi32> to vector<16xi32>
    tpu.vector_store %arg13[%swap3A_575], %swap3A_578 {strides = array<i32>} : memref<64xi32, #tpu.memory_space<vmem>>, vector<16xi32>,
    %get3A_579 = arith.constant 0 : i32
    %get3A_580 = arith.index_cast %get3A_579 : i32 to index
    %get3A_581 = arith.constant 496 : index
    %get3A_582 = tpu.vector_load %arg5[%get3A_580, %get3A_581] {strides = array<i32>} : memref<2x512xi32, #tpu.memory_space<vmem>>, vector<1x16xi32>,
    %get3A_583 = vector.shape_cast %get3A_582 : vector<1x16xi32> to vector<16xi32>
    %get3A_584 = arith.constant 1 : i32
    %get3A_585 = arith.index_cast %get3A_584 : i32 to index
    %get3A_586 = arith.constant 496 : index
    %get3A_587 = tpu.vector_load %arg5[%get3A_585, %get3A_586] {strides = array<i32>} : memref<2x512xi32, #tpu.memory_space<vmem>>, vector<1x16xi32>,
    %get3A_588 = vector.shape_cast %get3A_587 : vector<1x16xi32> to vector<16xi32>
    %mul3A_589 = arith.constant 250 : i32
    %mul3A_590 = vector.broadcast %mul3A_589 : i32 to vector<16xi32>
    %mul3A_591 = arith.muli %get3A_588, %mul3A_590 : vector<16xi32>
    %add3A_592 = arith.addi %mul3A_591, %get3A_583 : vector<16xi32>
    %swap3A_593 = arith.constant 48 : index
    %swap3A_594 = tpu.vector_load %arg13[%swap3A_593] {strides = array<i32>} : memref<64xi32, #tpu.memory_space<vmem>>, vector<16xi32>,
    %swap3A_595 = vector.shape_cast %swap3A_594 : vector<16xi32> to vector<16xi32>
    %swap3A_596 = vector.shape_cast %add3A_592 : vector<16xi32> to vector<16xi32>
    tpu.vector_store %arg13[%swap3A_593], %swap3A_596 {strides = array<i32>} : memref<64xi32, #tpu.memory_space<vmem>>, vector<16xi32>,
    %dma_start3A_597 = arith.constant 0 : i32
    %dma_start3A_598 = arith.constant 0 : i32
    %dma_start3A_599 = tpu.memref_slice %arg2[%dma_start3A_597, %dma_start3A_598] : memref<2000x128xi32, #tpu.memory_space<hbm>> -> memref<2000x128xi32, #tpu.memory_space<hbm>>
    tpu.enqueue_indirect_dma source(%dma_start3A_599 : memref<2000x128xi32, #tpu.memory_space<hbm>>) target(%arg21 : memref<64x128xi32, #tpu.memory_space<vmem>>) offsets(%arg13 : memref<64xi32, #tpu.memory_space<vmem>>) semaphore(%arg29 : memref<!tpu.dma_semaphore, #tpu.memory_space<semaphore_mem>>)
    %dma_wait3A = arith.constant 0 : i32
    %dma_wait3A_600 = arith.constant 0 : i32
    %dma_wait3A_601 = tpu.memref_slice %arg2[%dma_wait3A, %dma_wait3A_600] : memref<2000x128xi32, #tpu.memory_space<hbm>> -> memref<2000x128xi32, #tpu.memory_space<hbm>>
    tpu.wait_indirect_dma semaphore(%arg22 : memref<!tpu.dma_semaphore, #tpu.memory_space<semaphore_mem>>) src(%dma_wait3A_601 : memref<2000x128xi32, #tpu.memory_space<hbm>>) dst(%arg14 : memref<64x128xi32, #tpu.memory_space<vmem>>)
    %add3A_602 = arith.constant 0 : i32
    %add3A_603 = arith.addi %mul3A_2, %add3A_602 : i32
    %dma_start3A_604 = arith.constant 0 : i32
    %dma_start3A_605 = tpu.memref_slice %arg4[%add3A_603, %dma_start3A_604] : memref<16384x128xi32, #tpu.memory_space<hbm>> -> memref<64x128xi32, #tpu.memory_space<hbm>>
    %dma_start3A_606 = arith.constant 0 : i32
    %dma_start3A_607 = tpu.memref_slice %arg4[%add3A_603, %dma_start3A_606] : memref<16384x128xi32, #tpu.memory_space<hbm>> -> memref<64x128xi32, #tpu.memory_space<hbm>>
    tpu.enqueue_dma source(%arg14 : memref<64x128xi32, #tpu.memory_space<vmem>>) target(%dma_start3A_607 : memref<64x128xi32, #tpu.memory_space<hbm>>) target_semaphore(%arg30 : memref<!tpu.dma_semaphore, #tpu.memory_space<semaphore_mem>>)
    %dma_wait3A_608 = arith.constant 0 : i32
    %dma_wait3A_609 = arith.constant 0 : i32
    %dma_wait3A_610 = tpu.memref_slice %arg2[%dma_wait3A_608, %dma_wait3A_609] : memref<2000x128xi32, #tpu.memory_space<hbm>> -> memref<2000x128xi32, #tpu.memory_space<hbm>>
    tpu.wait_indirect_dma semaphore(%arg23 : memref<!tpu.dma_semaphore, #tpu.memory_space<semaphore_mem>>) src(%dma_wait3A_610 : memref<2000x128xi32, #tpu.memory_space<hbm>>) dst(%arg15 : memref<64x128xi32, #tpu.memory_space<vmem>>)
    %add3A_611 = arith.constant 64 : i32
    %add3A_612 = arith.addi %mul3A_2, %add3A_611 : i32
    %dma_start3A_613 = arith.constant 0 : i32
    %dma_start3A_614 = tpu.memref_slice %arg4[%add3A_612, %dma_start3A_613] : memref<16384x128xi32, #tpu.memory_space<hbm>> -> memref<64x128xi32, #tpu.memory_space<hbm>>
    %dma_start3A_615 = arith.constant 0 : i32
    %dma_start3A_616 = tpu.memref_slice %arg4[%add3A_612, %dma_start3A_615] : memref<16384x128xi32, #tpu.memory_space<hbm>> -> memref<64x128xi32, #tpu.memory_space<hbm>>
    tpu.enqueue_dma source(%arg15 : memref<64x128xi32, #tpu.memory_space<vmem>>) target(%dma_start3A_616 : memref<64x128xi32, #tpu.memory_space<hbm>>) target_semaphore(%arg31 : memref<!tpu.dma_semaphore, #tpu.memory_space<semaphore_mem>>)
    %dma_wait3A_617 = arith.constant 0 : i32
    %dma_wait3A_618 = arith.constant 0 : i32
    %dma_wait3A_619 = tpu.memref_slice %arg2[%dma_wait3A_617, %dma_wait3A_618] : memref<2000x128xi32, #tpu.memory_space<hbm>> -> memref<2000x128xi32, #tpu.memory_space<hbm>>
    tpu.wait_indirect_dma semaphore(%arg24 : memref<!tpu.dma_semaphore, #tpu.memory_space<semaphore_mem>>) src(%dma_wait3A_619 : memref<2000x128xi32, #tpu.memory_space<hbm>>) dst(%arg16 : memref<64x128xi32, #tpu.memory_space<vmem>>)
    %add3A_620 = arith.constant 128 : i32
    %add3A_621 = arith.addi %mul3A_2, %add3A_620 : i32
    %dma_start3A_622 = arith.constant 0 : i32
    %dma_start3A_623 = tpu.memref_slice %arg4[%add3A_621, %dma_start3A_622] : memref<16384x128xi32, #tpu.memory_space<hbm>> -> memref<64x128xi32, #tpu.memory_space<hbm>>
    %dma_start3A_624 = arith.constant 0 : i32
    %dma_start3A_625 = tpu.memref_slice %arg4[%add3A_621, %dma_start3A_624] : memref<16384x128xi32, #tpu.memory_space<hbm>> -> memref<64x128xi32, #tpu.memory_space<hbm>>
    tpu.enqueue_dma source(%arg16 : memref<64x128xi32, #tpu.memory_space<vmem>>) target(%dma_start3A_625 : memref<64x128xi32, #tpu.memory_space<hbm>>) target_semaphore(%arg32 : memref<!tpu.dma_semaphore, #tpu.memory_space<semaphore_mem>>)
    %dma_wait3A_626 = arith.constant 0 : i32
    %dma_wait3A_627 = arith.constant 0 : i32
    %dma_wait3A_628 = tpu.memref_slice %arg2[%dma_wait3A_626, %dma_wait3A_627] : memref<2000x128xi32, #tpu.memory_space<hbm>> -> memref<2000x128xi32, #tpu.memory_space<hbm>>
    tpu.wait_indirect_dma semaphore(%arg25 : memref<!tpu.dma_semaphore, #tpu.memory_space<semaphore_mem>>) src(%dma_wait3A_628 : memref<2000x128xi32, #tpu.memory_space<hbm>>) dst(%arg17 : memref<64x128xi32, #tpu.memory_space<vmem>>)
    %add3A_629 = arith.constant 192 : i32
    %add3A_630 = arith.addi %mul3A_2, %add3A_629 : i32
    %dma_start3A_631 = arith.constant 0 : i32
    %dma_start3A_632 = tpu.memref_slice %arg4[%add3A_630, %dma_start3A_631] : memref<16384x128xi32, #tpu.memory_space<hbm>> -> memref<64x128xi32, #tpu.memory_space<hbm>>
    %dma_start3A_633 = arith.constant 0 : i32
    %dma_start3A_634 = tpu.memref_slice %arg4[%add3A_630, %dma_start3A_633] : memref<16384x128xi32, #tpu.memory_space<hbm>> -> memref<64x128xi32, #tpu.memory_space<hbm>>
    tpu.enqueue_dma source(%arg17 : memref<64x128xi32, #tpu.memory_space<vmem>>) target(%dma_start3A_634 : memref<64x128xi32, #tpu.memory_space<hbm>>) target_semaphore(%arg33 : memref<!tpu.dma_semaphore, #tpu.memory_space<semaphore_mem>>)
    %dma_wait3A_635 = arith.constant 0 : i32
    %dma_wait3A_636 = arith.constant 0 : i32
    %dma_wait3A_637 = tpu.memref_slice %arg2[%dma_wait3A_635, %dma_wait3A_636] : memref<2000x128xi32, #tpu.memory_space<hbm>> -> memref<2000x128xi32, #tpu.memory_space<hbm>>
    tpu.wait_indirect_dma semaphore(%arg26 : memref<!tpu.dma_semaphore, #tpu.memory_space<semaphore_mem>>) src(%dma_wait3A_637 : memref<2000x128xi32, #tpu.memory_space<hbm>>) dst(%arg18 : memref<64x128xi32, #tpu.memory_space<vmem>>)
    %add3A_638 = arith.constant 256 : i32
    %add3A_639 = arith.addi %mul3A_2, %add3A_638 : i32
    %dma_start3A_640 = arith.constant 0 : i32
    %dma_start3A_641 = tpu.memref_slice %arg4[%add3A_639, %dma_start3A_640] : memref<16384x128xi32, #tpu.memory_space<hbm>> -> memref<64x128xi32, #tpu.memory_space<hbm>>
    %dma_start3A_642 = arith.constant 0 : i32
    %dma_start3A_643 = tpu.memref_slice %arg4[%add3A_639, %dma_start3A_642] : memref<16384x128xi32, #tpu.memory_space<hbm>> -> memref<64x128xi32, #tpu.memory_space<hbm>>
    tpu.enqueue_dma source(%arg18 : memref<64x128xi32, #tpu.memory_space<vmem>>) target(%dma_start3A_643 : memref<64x128xi32, #tpu.memory_space<hbm>>) target_semaphore(%arg34 : memref<!tpu.dma_semaphore, #tpu.memory_space<semaphore_mem>>)
    %dma_wait3A_644 = arith.constant 0 : i32
    %dma_wait3A_645 = arith.constant 0 : i32
    %dma_wait3A_646 = tpu.memref_slice %arg2[%dma_wait3A_644, %dma_wait3A_645] : memref<2000x128xi32, #tpu.memory_space<hbm>> -> memref<2000x128xi32, #tpu.memory_space<hbm>>
    tpu.wait_indirect_dma semaphore(%arg27 : memref<!tpu.dma_semaphore, #tpu.memory_space<semaphore_mem>>) src(%dma_wait3A_646 : memref<2000x128xi32, #tpu.memory_space<hbm>>) dst(%arg19 : memref<64x128xi32, #tpu.memory_space<vmem>>)
    %add3A_647 = arith.constant 320 : i32
    %add3A_648 = arith.addi %mul3A_2, %add3A_647 : i32
    %dma_start3A_649 = arith.constant 0 : i32
    %dma_start3A_650 = tpu.memref_slice %arg4[%add3A_648, %dma_start3A_649] : memref<16384x128xi32, #tpu.memory_space<hbm>> -> memref<64x128xi32, #tpu.memory_space<hbm>>
    %dma_start3A_651 = arith.constant 0 : i32
    %dma_start3A_652 = tpu.memref_slice %arg4[%add3A_648, %dma_start3A_651] : memref<16384x128xi32, #tpu.memory_space<hbm>> -> memref<64x128xi32, #tpu.memory_space<hbm>>
    tpu.enqueue_dma source(%arg19 : memref<64x128xi32, #tpu.memory_space<vmem>>) target(%dma_start3A_652 : memref<64x128xi32, #tpu.memory_space<hbm>>) target_semaphore(%arg35 : memref<!tpu.dma_semaphore, #tpu.memory_space<semaphore_mem>>)
    %dma_wait3A_653 = arith.constant 0 : i32
    %dma_wait3A_654 = arith.constant 0 : i32
    %dma_wait3A_655 = tpu.memref_slice %arg2[%dma_wait3A_653, %dma_wait3A_654] : memref<2000x128xi32, #tpu.memory_space<hbm>> -> memref<2000x128xi32, #tpu.memory_space<hbm>>
    tpu.wait_indirect_dma semaphore(%arg28 : memref<!tpu.dma_semaphore, #tpu.memory_space<semaphore_mem>>) src(%dma_wait3A_655 : memref<2000x128xi32, #tpu.memory_space<hbm>>) dst(%arg20 : memref<64x128xi32, #tpu.memory_space<vmem>>)
    %add3A_656 = arith.constant 384 : i32
    %add3A_657 = arith.addi %mul3A_2, %add3A_656 : i32
    %dma_start3A_658 = arith.constant 0 : i32
    %dma_start3A_659 = tpu.memref_slice %arg4[%add3A_657, %dma_start3A_658] : memref<16384x128xi32, #tpu.memory_space<hbm>> -> memref<64x128xi32, #tpu.memory_space<hbm>>
    %dma_start3A_660 = arith.constant 0 : i32
    %dma_start3A_661 = tpu.memref_slice %arg4[%add3A_657, %dma_start3A_660] : memref<16384x128xi32, #tpu.memory_space<hbm>> -> memref<64x128xi32, #tpu.memory_space<hbm>>
    tpu.enqueue_dma source(%arg20 : memref<64x128xi32, #tpu.memory_space<vmem>>) target(%dma_start3A_661 : memref<64x128xi32, #tpu.memory_space<hbm>>) target_semaphore(%arg36 : memref<!tpu.dma_semaphore, #tpu.memory_space<semaphore_mem>>)
    %dma_wait3A_662 = arith.constant 0 : i32
    %dma_wait3A_663 = arith.constant 0 : i32
    %dma_wait3A_664 = tpu.memref_slice %arg2[%dma_wait3A_662, %dma_wait3A_663] : memref<2000x128xi32, #tpu.memory_space<hbm>> -> memref<2000x128xi32, #tpu.memory_space<hbm>>
    tpu.wait_indirect_dma semaphore(%arg29 : memref<!tpu.dma_semaphore, #tpu.memory_space<semaphore_mem>>) src(%dma_wait3A_664 : memref<2000x128xi32, #tpu.memory_space<hbm>>) dst(%arg21 : memref<64x128xi32, #tpu.memory_space<vmem>>)
    %add3A_665 = arith.constant 448 : i32
    %add3A_666 = arith.addi %mul3A_2, %add3A_665 : i32
    %dma_start3A_667 = arith.constant 0 : i32
    %dma_start3A_668 = tpu.memref_slice %arg4[%add3A_666, %dma_start3A_667] : memref<16384x128xi32, #tpu.memory_space<hbm>> -> memref<64x128xi32, #tpu.memory_space<hbm>>
    %dma_start3A_669 = arith.constant 0 : i32
    %dma_start3A_670 = tpu.memref_slice %arg4[%add3A_666, %dma_start3A_669] : memref<16384x128xi32, #tpu.memory_space<hbm>> -> memref<64x128xi32, #tpu.memory_space<hbm>>
    tpu.enqueue_dma source(%arg21 : memref<64x128xi32, #tpu.memory_space<vmem>>) target(%dma_start3A_670 : memref<64x128xi32, #tpu.memory_space<hbm>>) target_semaphore(%arg37 : memref<!tpu.dma_semaphore, #tpu.memory_space<semaphore_mem>>)
    %dma_wait3A_671 = arith.constant 0 : i32
    %dma_wait3A_672 = tpu.memref_slice %arg4[%add3A_603, %dma_wait3A_671] : memref<16384x128xi32, #tpu.memory_space<hbm>> -> memref<64x128xi32, #tpu.memory_space<hbm>>
    %dma_wait3A_673 = arith.constant 0 : i32
    %dma_wait3A_674 = tpu.memref_slice %arg4[%add3A_603, %dma_wait3A_673] : memref<16384x128xi32, #tpu.memory_space<hbm>> -> memref<64x128xi32, #tpu.memory_space<hbm>>
    tpu.wait_dma2 semaphore(%arg30 : memref<!tpu.dma_semaphore, #tpu.memory_space<semaphore_mem>>) src(%arg14 : memref<64x128xi32, #tpu.memory_space<vmem>>) dst(%dma_wait3A_674 : memref<64x128xi32, #tpu.memory_space<hbm>>)
    %dma_wait3A_675 = arith.constant 0 : i32
    %dma_wait3A_676 = tpu.memref_slice %arg4[%add3A_612, %dma_wait3A_675] : memref<16384x128xi32, #tpu.memory_space<hbm>> -> memref<64x128xi32, #tpu.memory_space<hbm>>
    %dma_wait3A_677 = arith.constant 0 : i32
    %dma_wait3A_678 = tpu.memref_slice %arg4[%add3A_612, %dma_wait3A_677] : memref<16384x128xi32, #tpu.memory_space<hbm>> -> memref<64x128xi32, #tpu.memory_space<hbm>>
    tpu.wait_dma2 semaphore(%arg31 : memref<!tpu.dma_semaphore, #tpu.memory_space<semaphore_mem>>) src(%arg15 : memref<64x128xi32, #tpu.memory_space<vmem>>) dst(%dma_wait3A_678 : memref<64x128xi32, #tpu.memory_space<hbm>>)
    %dma_wait3A_679 = arith.constant 0 : i32
    %dma_wait3A_680 = tpu.memref_slice %arg4[%add3A_621, %dma_wait3A_679] : memref<16384x128xi32, #tpu.memory_space<hbm>> -> memref<64x128xi32, #tpu.memory_space<hbm>>
    %dma_wait3A_681 = arith.constant 0 : i32
    %dma_wait3A_682 = tpu.memref_slice %arg4[%add3A_621, %dma_wait3A_681] : memref<16384x128xi32, #tpu.memory_space<hbm>> -> memref<64x128xi32, #tpu.memory_space<hbm>>
    tpu.wait_dma2 semaphore(%arg32 : memref<!tpu.dma_semaphore, #tpu.memory_space<semaphore_mem>>) src(%arg16 : memref<64x128xi32, #tpu.memory_space<vmem>>) dst(%dma_wait3A_682 : memref<64x128xi32, #tpu.memory_space<hbm>>)
    %dma_wait3A_683 = arith.constant 0 : i32
    %dma_wait3A_684 = tpu.memref_slice %arg4[%add3A_630, %dma_wait3A_683] : memref<16384x128xi32, #tpu.memory_space<hbm>> -> memref<64x128xi32, #tpu.memory_space<hbm>>
    %dma_wait3A_685 = arith.constant 0 : i32
    %dma_wait3A_686 = tpu.memref_slice %arg4[%add3A_630, %dma_wait3A_685] : memref<16384x128xi32, #tpu.memory_space<hbm>> -> memref<64x128xi32, #tpu.memory_space<hbm>>
    tpu.wait_dma2 semaphore(%arg33 : memref<!tpu.dma_semaphore, #tpu.memory_space<semaphore_mem>>) src(%arg17 : memref<64x128xi32, #tpu.memory_space<vmem>>) dst(%dma_wait3A_686 : memref<64x128xi32, #tpu.memory_space<hbm>>)
    %dma_wait3A_687 = arith.constant 0 : i32
    %dma_wait3A_688 = tpu.memref_slice %arg4[%add3A_639, %dma_wait3A_687] : memref<16384x128xi32, #tpu.memory_space<hbm>> -> memref<64x128xi32, #tpu.memory_space<hbm>>
    %dma_wait3A_689 = arith.constant 0 : i32
    %dma_wait3A_690 = tpu.memref_slice %arg4[%add3A_639, %dma_wait3A_689] : memref<16384x128xi32, #tpu.memory_space<hbm>> -> memref<64x128xi32, #tpu.memory_space<hbm>>
    tpu.wait_dma2 semaphore(%arg34 : memref<!tpu.dma_semaphore, #tpu.memory_space<semaphore_mem>>) src(%arg18 : memref<64x128xi32, #tpu.memory_space<vmem>>) dst(%dma_wait3A_690 : memref<64x128xi32, #tpu.memory_space<hbm>>)
    %dma_wait3A_691 = arith.constant 0 : i32
    %dma_wait3A_692 = tpu.memref_slice %arg4[%add3A_648, %dma_wait3A_691] : memref<16384x128xi32, #tpu.memory_space<hbm>> -> memref<64x128xi32, #tpu.memory_space<hbm>>
    %dma_wait3A_693 = arith.constant 0 : i32
    %dma_wait3A_694 = tpu.memref_slice %arg4[%add3A_648, %dma_wait3A_693] : memref<16384x128xi32, #tpu.memory_space<hbm>> -> memref<64x128xi32, #tpu.memory_space<hbm>>
    tpu.wait_dma2 semaphore(%arg35 : memref<!tpu.dma_semaphore, #tpu.memory_space<semaphore_mem>>) src(%arg19 : memref<64x128xi32, #tpu.memory_space<vmem>>) dst(%dma_wait3A_694 : memref<64x128xi32, #tpu.memory_space<hbm>>)
    %dma_wait3A_695 = arith.constant 0 : i32
    %dma_wait3A_696 = tpu.memref_slice %arg4[%add3A_657, %dma_wait3A_695] : memref<16384x128xi32, #tpu.memory_space<hbm>> -> memref<64x128xi32, #tpu.memory_space<hbm>>
    %dma_wait3A_697 = arith.constant 0 : i32
    %dma_wait3A_698 = tpu.memref_slice %arg4[%add3A_657, %dma_wait3A_697] : memref<16384x128xi32, #tpu.memory_space<hbm>> -> memref<64x128xi32, #tpu.memory_space<hbm>>
    tpu.wait_dma2 semaphore(%arg36 : memref<!tpu.dma_semaphore, #tpu.memory_space<semaphore_mem>>) src(%arg20 : memref<64x128xi32, #tpu.memory_space<vmem>>) dst(%dma_wait3A_698 : memref<64x128xi32, #tpu.memory_space<hbm>>)
    %dma_wait3A_699 = arith.constant 0 : i32
    %dma_wait3A_700 = tpu.memref_slice %arg4[%add3A_666, %dma_wait3A_699] : memref<16384x128xi32, #tpu.memory_space<hbm>> -> memref<64x128xi32, #tpu.memory_space<hbm>>
    %dma_wait3A_701 = arith.constant 0 : i32
    %dma_wait3A_702 = tpu.memref_slice %arg4[%add3A_666, %dma_wait3A_701] : memref<16384x128xi32, #tpu.memory_space<hbm>> -> memref<64x128xi32, #tpu.memory_space<hbm>>
    tpu.wait_dma2 semaphore(%arg37 : memref<!tpu.dma_semaphore, #tpu.memory_space<semaphore_mem>>) src(%arg21 : memref<64x128xi32, #tpu.memory_space<vmem>>) dst(%dma_wait3A_702 : memref<64x128xi32, #tpu.memory_space<hbm>>)
    return
  }
}

module attributes {stable_mosaic.version = 14 : i64} {
  func.func @_mm_body(%arg0: i32, %arg1: memref<250x2048xbf16, #tpu.memory_space<vmem>>, %arg2: memref<1x2048x256xf32, #tpu.memory_space<vmem>>, %arg3: memref<2048x256xf32, #tpu.memory_space<vmem>>, %arg4: memref<1x250x128xi32, #tpu.memory_space<vmem>>) attributes {dimension_semantics = [#tpu.dimension_semantics<arbitrary>], iteration_bounds = array<i64: 8>, scalar_prefetch = 0 : i64, scratch_operands = 0 : i64, tpu.core_type = #tpu.core_type<tc>, window_params = [{pipeline_mode = #tpu.pipeline_mode<synchronous>, transform_indices = @transform_0, window_bounds = array<i64: 250, 2048>}, {transform_indices = @transform_1, window_bounds = array<i64: 1, 2048, 256>}, {pipeline_mode = #tpu.pipeline_mode<synchronous>, transform_indices = @transform_2, window_bounds = array<i64: 2048, 256>}, {transform_indices = @transform_3, window_bounds = array<i64: 1, 250, 128>}]} {
    %lt3A = arith.constant 7 : i32
    %lt3A_0 = arith.cmpi slt, %arg0, %lt3A : i32
    %convert_element_type3A = arith.extui %lt3A_0 : i1 to i32
    %cond3A = arith.constant 0 : i32
    %cond3A_1 = arith.cmpi ne, %convert_element_type3A, %cond3A : i32
    scf.if %cond3A_1 {
      %get3A = arith.constant 0 : index
      %get3A_6 = arith.constant 0 : index
      %get3A_7 = arith.constant 0 : index
      %get3A_8 = vector.load %arg2[%get3A, %get3A_6, %get3A_7] : memref<1x2048x256xf32, #tpu.memory_space<vmem>>, vector<1x2048x256xf32>
      %get3A_9 = vector.shape_cast %get3A_8 : vector<1x2048x256xf32> to vector<2048x256xf32>
      %get3A_10 = arith.constant 0 : index
      %get3A_11 = arith.constant 0 : index
      %get3A_12 = vector.load %arg1[%get3A_10, %get3A_11] : memref<250x2048xbf16, #tpu.memory_space<vmem>>, vector<250x2048xbf16>
      %convert_element_type3A_13 = arith.truncf %get3A_9 : vector<2048x256xf32> to vector<2048x256xbf16>
      %dot_general3A = arith.constant dense<0.000000e+00> : vector<250x256xf32>
      %dot_general3A_14 = tpu.matmul %get3A_12, %convert_element_type3A_13, %dot_general3A {dimension_numbers = #tpu.dot_dimension_numbers<[1], [0], [0], [1], [0, 0, 1, 1], [], []>, transpose_lhs_hint = false} : vector<250x2048xbf16>, vector<2048x256xbf16>, vector<250x256xf32> -> vector<250x256xf32>
      %slice3A = vector.extract_strided_slice %dot_general3A_14 {offsets = [0, 0], sizes = [250, 128], strides = [1, 1]} : vector<250x256xf32> to vector<250x128xf32>
      %convert_element_type3A_15 = arith.truncf %slice3A : vector<250x128xf32> to vector<250x128xbf16>
      %convert_element_type3A_16 = arith.extf %convert_element_type3A_15 : vector<250x128xbf16> to vector<250x128xf32>
      %slice3A_17 = vector.extract_strided_slice %dot_general3A_14 {offsets = [0, 128], sizes = [250, 128], strides = [1, 1]} : vector<250x256xf32> to vector<250x128xf32>
      %convert_element_type3A_18 = arith.truncf %slice3A_17 : vector<250x128xf32> to vector<250x128xbf16>
      %convert_element_type3A_19 = arith.extf %convert_element_type3A_18 : vector<250x128xbf16> to vector<250x128xf32>
      %bitcast_convert_type3A = tpu.bitcast %convert_element_type3A_16 : vector<250x128xf32> -> vector<250x128xi32>
      %shift_right_logical3A = arith.constant 16 : i32
      %shift_right_logical3A_20 = vector.broadcast %shift_right_logical3A : i32 to vector<250x128xi32>
      %shift_right_logical3A_21 = arith.shrui %bitcast_convert_type3A, %shift_right_logical3A_20 : vector<250x128xi32>
      %bitcast_convert_type3A_22 = tpu.bitcast %convert_element_type3A_19 : vector<250x128xf32> -> vector<250x128xi32>
      %and3A = arith.constant -65536 : i32
      %and3A_23 = vector.broadcast %and3A : i32 to vector<250x128xi32>
      %and3A_24 = arith.andi %bitcast_convert_type3A_22, %and3A_23 : vector<250x128xi32>
      %or3A = arith.ori %shift_right_logical3A_21, %and3A_24 : vector<250x128xi32>
      %swap3A = arith.constant 0 : index
      %swap3A_25 = arith.constant 0 : index
      %swap3A_26 = arith.constant 0 : index
      %swap3A_27 = vector.load %arg4[%swap3A, %swap3A_25, %swap3A_26] : memref<1x250x128xi32, #tpu.memory_space<vmem>>, vector<1x250x128xi32>
      %swap3A_28 = vector.shape_cast %swap3A_27 : vector<1x250x128xi32> to vector<250x128xi32>
      %swap3A_29 = vector.shape_cast %or3A : vector<250x128xi32> to vector<1x250x128xi32>
      tpu.vector_store %arg4[%swap3A, %swap3A_25, %swap3A_26], %swap3A_29 {strides = array<i32>} : memref<1x250x128xi32, #tpu.memory_space<vmem>>, vector<1x250x128xi32>,
    } else {
    }
    %eq3A = arith.constant 7 : i32
    %eq3A_2 = arith.cmpi eq, %arg0, %eq3A : i32
    %convert_element_type3A_3 = arith.extui %eq3A_2 : i1 to i32
    %cond3A_4 = arith.constant 0 : i32
    %cond3A_5 = arith.cmpi ne, %convert_element_type3A_3, %cond3A_4 : i32
    scf.if %cond3A_5 {
      %get3A = arith.constant 0 : index
      %get3A_6 = arith.constant 0 : index
      %get3A_7 = vector.load %arg3[%get3A, %get3A_6] : memref<2048x256xf32, #tpu.memory_space<vmem>>, vector<2048x256xf32>
      %get3A_8 = arith.constant 0 : index
      %get3A_9 = arith.constant 0 : index
      %get3A_10 = vector.load %arg1[%get3A_8, %get3A_9] : memref<250x2048xbf16, #tpu.memory_space<vmem>>, vector<250x2048xbf16>
      %convert_element_type3A_11 = arith.truncf %get3A_7 : vector<2048x256xf32> to vector<2048x256xbf16>
      %dot_general3A = arith.constant dense<0.000000e+00> : vector<250x256xf32>
      %dot_general3A_12 = tpu.matmul %get3A_10, %convert_element_type3A_11, %dot_general3A {dimension_numbers = #tpu.dot_dimension_numbers<[1], [0], [0], [1], [0, 0, 1, 1], [], []>, transpose_lhs_hint = false} : vector<250x2048xbf16>, vector<2048x256xbf16>, vector<250x256xf32> -> vector<250x256xf32>
      %slice3A = vector.extract_strided_slice %dot_general3A_12 {offsets = [0, 0], sizes = [250, 128], strides = [1, 1]} : vector<250x256xf32> to vector<250x128xf32>
      %convert_element_type3A_13 = arith.truncf %slice3A : vector<250x128xf32> to vector<250x128xbf16>
      %convert_element_type3A_14 = arith.extf %convert_element_type3A_13 : vector<250x128xbf16> to vector<250x128xf32>
      %slice3A_15 = vector.extract_strided_slice %dot_general3A_12 {offsets = [0, 128], sizes = [250, 128], strides = [1, 1]} : vector<250x256xf32> to vector<250x128xf32>
      %convert_element_type3A_16 = arith.truncf %slice3A_15 : vector<250x128xf32> to vector<250x128xbf16>
      %convert_element_type3A_17 = arith.extf %convert_element_type3A_16 : vector<250x128xbf16> to vector<250x128xf32>
      %bitcast_convert_type3A = tpu.bitcast %convert_element_type3A_14 : vector<250x128xf32> -> vector<250x128xi32>
      %shift_right_logical3A = arith.constant 16 : i32
      %shift_right_logical3A_18 = vector.broadcast %shift_right_logical3A : i32 to vector<250x128xi32>
      %shift_right_logical3A_19 = arith.shrui %bitcast_convert_type3A, %shift_right_logical3A_18 : vector<250x128xi32>
      %bitcast_convert_type3A_20 = tpu.bitcast %convert_element_type3A_17 : vector<250x128xf32> -> vector<250x128xi32>
      %and3A = arith.constant -65536 : i32
      %and3A_21 = vector.broadcast %and3A : i32 to vector<250x128xi32>
      %and3A_22 = arith.andi %bitcast_convert_type3A_20, %and3A_21 : vector<250x128xi32>
      %or3A = arith.ori %shift_right_logical3A_19, %and3A_22 : vector<250x128xi32>
      %swap3A = arith.constant 0 : index
      %swap3A_23 = arith.constant 0 : index
      %swap3A_24 = arith.constant 0 : index
      %swap3A_25 = vector.load %arg4[%swap3A, %swap3A_23, %swap3A_24] : memref<1x250x128xi32, #tpu.memory_space<vmem>>, vector<1x250x128xi32>
      %swap3A_26 = vector.shape_cast %swap3A_25 : vector<1x250x128xi32> to vector<250x128xi32>
      %swap3A_27 = vector.shape_cast %or3A : vector<250x128xi32> to vector<1x250x128xi32>
      tpu.vector_store %arg4[%swap3A, %swap3A_23, %swap3A_24], %swap3A_27 {strides = array<i32>} : memref<1x250x128xi32, #tpu.memory_space<vmem>>, vector<1x250x128xi32>,
    } else {
    }
    return
  }
  func.func @transform_0(%arg0: i32) -> (i32, i32) {
    %c0_i32 = arith.constant 0 : i32
    %c0_i32_0 = arith.constant 0 : i32
    %c0_i32_1 = arith.constant 0 : i32
    return %c0_i32, %c0_i32_0 : i32, i32
  }
  func.func @transform_1(%arg0: i32) -> (i32, i32, i32) {
    %min3A = arith.constant 6 : i32
    %min3A_0 = arith.minsi %arg0, %min3A : i32
    %c0_i32 = arith.constant 0 : i32
    %c0_i32_1 = arith.constant 0 : i32
    %c0_i32_2 = arith.constant 0 : i32
    return %min3A_0, %c0_i32, %c0_i32_1 : i32, i32, i32
  }
  func.func @transform_2(%arg0: i32) -> (i32, i32) {
    %c0_i32 = arith.constant 0 : i32
    %c0_i32_0 = arith.constant 0 : i32
    %c0_i32_1 = arith.constant 0 : i32
    return %c0_i32, %c0_i32_0 : i32, i32
  }
  func.func @transform_3(%arg0: i32) -> (i32, i32, i32) {
    %c0_i32 = arith.constant 0 : i32
    %c0_i32_0 = arith.constant 0 : i32
    %c0_i32_1 = arith.constant 0 : i32
    return %arg0, %c0_i32, %c0_i32_0 : i32, i32, i32
  }
}

module attributes {stable_mosaic.version = 14 : i64} {
  func.func @_agg_body(%arg0: i32, %arg1: memref<2048x128xi32, #tpu.memory_space<vmem>>, %arg2: memref<1x2048xf32, #tpu.memory_space<vmem>>, %arg3: memref<1x2048xf32, #tpu.memory_space<vmem>>, %arg4: memref<250x8xf32, #tpu.memory_space<vmem>>, %arg5: memref<250x256xf32, #tpu.memory_space<vmem>>) attributes {dimension_semantics = [#tpu.dimension_semantics<arbitrary>], iteration_bounds = array<i64: 8>, scalar_prefetch = 0 : i64, scratch_operands = 0 : i64, tpu.core_type = #tpu.core_type<tc>, window_params = [{transform_indices = @transform_0, window_bounds = array<i64: 2048, 128>}, {transform_indices = @transform_1, window_bounds = array<i64: 1, 2048>}, {transform_indices = @transform_2, window_bounds = array<i64: 1, 2048>}, {pipeline_mode = #tpu.pipeline_mode<synchronous>, transform_indices = @transform_3, window_bounds = array<i64: 250, 8>}, {pipeline_mode = #tpu.pipeline_mode<synchronous>, transform_indices = @transform_4, window_bounds = array<i64: 250, 256>}]} {
    %iota3A = tpu.iota {dimensions = array<i32: 0>} : vector<250x2048xi32>
    %convert_element_type3A = arith.sitofp %iota3A : vector<250x2048xi32> to vector<250x2048xf32>
    %get3A = arith.constant 0 : index
    %get3A_0 = arith.constant 0 : index
    %get3A_1 = vector.load %arg2[%get3A, %get3A_0] : memref<1x2048xf32, #tpu.memory_space<vmem>>, vector<1x2048xf32>
    %eq3A = vector.broadcast %get3A_1 : vector<1x2048xf32> to vector<250x2048xf32>
    %eq3A_2 = arith.cmpf oeq, %convert_element_type3A, %eq3A : vector<250x2048xf32>
    %convert_element_type3A_3 = arith.extui %eq3A_2 : vector<250x2048xi1> to vector<250x2048xi32>
    %convert_element_type3A_4 = arith.sitofp %convert_element_type3A_3 : vector<250x2048xi32> to vector<250x2048xf32>
    %iota3A_5 = tpu.iota {dimensions = array<i32: 0>} : vector<8x2048xi32>
    %convert_element_type3A_6 = arith.sitofp %iota3A_5 : vector<8x2048xi32> to vector<8x2048xf32>
    %get3A_7 = arith.constant 0 : index
    %get3A_8 = arith.constant 0 : index
    %get3A_9 = vector.load %arg3[%get3A_7, %get3A_8] : memref<1x2048xf32, #tpu.memory_space<vmem>>, vector<1x2048xf32>
    %eq3A_10 = vector.broadcast %get3A_9 : vector<1x2048xf32> to vector<8x2048xf32>
    %eq3A_11 = arith.cmpf oeq, %convert_element_type3A_6, %eq3A_10 : vector<8x2048xf32>
    %convert_element_type3A_12 = arith.extui %eq3A_11 : vector<8x2048xi1> to vector<8x2048xi32>
    %convert_element_type3A_13 = arith.sitofp %convert_element_type3A_12 : vector<8x2048xi32> to vector<8x2048xf32>
    %iota3A_14 = tpu.iota {dimensions = array<i32: 1>} : vector<250x8xi32>
    %lt3A = arith.constant 7 : i32
    %lt3A_15 = vector.broadcast %lt3A : i32 to vector<250x8xi32>
    %lt3A_16 = arith.cmpi slt, %iota3A_14, %lt3A_15 : vector<250x8xi32>
    %get3A_17 = arith.constant 0 : index
    %get3A_18 = arith.constant 0 : index
    %get3A_19 = vector.load %arg4[%get3A_17, %get3A_18] : memref<250x8xf32, #tpu.memory_space<vmem>>, vector<250x8xf32>
    %max3A = arith.constant 1.000000e+00 : f32
    %max3A_20 = vector.broadcast %max3A : f32 to vector<250x8xf32>
    %max3A_21 = arith.maximumf %get3A_19, %max3A_20 : vector<250x8xf32>
    %div3A = arith.constant 1.000000e+00 : f32
    %div3A_22 = vector.broadcast %div3A : f32 to vector<250x8xf32>
    %div3A_23 = arith.divf %div3A_22, %max3A_21 : vector<250x8xf32>
    %jit3A = arith.constant 0.000000e+00 : f32
    %broadcast_in_dim3A = vector.broadcast %jit3A : f32 to vector<250x8xf32>
    %select_n3A = arith.select %lt3A_16, %div3A_23, %broadcast_in_dim3A : vector<250x8xi1>, vector<250x8xf32>
    %dot_general3A = arith.constant dense<0.000000e+00> : vector<250x2048xf32>
    %dot_general3A_24 = tpu.matmul %select_n3A, %convert_element_type3A_13, %dot_general3A {dimension_numbers = #tpu.dot_dimension_numbers<[1], [0], [0], [1], [0, 0, 1, 1], [], []>, transpose_lhs_hint = false} : vector<250x8xf32>, vector<8x2048xf32>, vector<250x2048xf32> -> vector<250x2048xf32>
    %mul3A = arith.mulf %convert_element_type3A_4, %dot_general3A_24 : vector<250x2048xf32>
    %convert_element_type3A_25 = arith.truncf %mul3A : vector<250x2048xf32> to vector<250x2048xbf16>
    %get3A_26 = arith.constant 0 : index
    %get3A_27 = arith.constant 0 : index
    %get3A_28 = vector.load %arg1[%get3A_26, %get3A_27] : memref<2048x128xi32, #tpu.memory_space<vmem>>, vector<2048x128xi32>
    %shift_left3A = arith.constant 16 : i32
    %shift_left3A_29 = vector.broadcast %shift_left3A : i32 to vector<2048x128xi32>
    %shift_left3A_30 = arith.shli %get3A_28, %shift_left3A_29 : vector<2048x128xi32>
    %bitcast_convert_type3A = tpu.bitcast %shift_left3A_30 : vector<2048x128xi32> -> vector<2048x128xf32>
    %and3A = arith.constant -65536 : i32
    %and3A_31 = vector.broadcast %and3A : i32 to vector<2048x128xi32>
    %and3A_32 = arith.andi %get3A_28, %and3A_31 : vector<2048x128xi32>
    %bitcast_convert_type3A_33 = tpu.bitcast %and3A_32 : vector<2048x128xi32> -> vector<2048x128xf32>
    %eq3A_34 = arith.constant 0 : i32
    %eq3A_35 = arith.cmpi eq, %arg0, %eq3A_34 : i32
    %convert_element_type3A_36 = arith.extui %eq3A_35 : i1 to i32
    %cond3A = arith.constant 0 : i32
    %cond3A_37 = arith.cmpi ne, %convert_element_type3A_36, %cond3A : i32
    scf.if %cond3A_37 {
      %broadcast_in_dim3A_56 = arith.constant 0.000000e+00 : f32
      %broadcast_in_dim3A_57 = vector.broadcast %broadcast_in_dim3A_56 : f32 to vector<250x256xf32>
      %swap3A_58 = arith.constant 0 : index
      %swap3A_59 = arith.constant 0 : index
      %swap3A_60 = vector.load %arg5[%swap3A_58, %swap3A_59] : memref<250x256xf32, #tpu.memory_space<vmem>>, vector<250x256xf32>
      tpu.vector_store %arg5[%swap3A_58, %swap3A_59], %broadcast_in_dim3A_57 {strides = array<i32>} : memref<250x256xf32, #tpu.memory_space<vmem>>, vector<250x256xf32>,
    } else {
    }
    %get3A_38 = arith.constant 0 : index
    %get3A_39 = arith.constant 0 : index
    %get3A_40 = vector.load %arg5[%get3A_38, %get3A_39] : memref<250x256xf32, #tpu.memory_space<vmem>>, vector<250x128xf32>
    %convert_element_type3A_41 = arith.truncf %bitcast_convert_type3A : vector<2048x128xf32> to vector<2048x128xbf16>
    %dot_general3A_42 = arith.constant dense<0.000000e+00> : vector<250x128xf32>
    %dot_general3A_43 = tpu.matmul %convert_element_type3A_25, %convert_element_type3A_41, %dot_general3A_42 {dimension_numbers = #tpu.dot_dimension_numbers<[1], [0], [0], [1], [0, 0, 1, 1], [], []>, transpose_lhs_hint = false} : vector<250x2048xbf16>, vector<2048x128xbf16>, vector<250x128xf32> -> vector<250x128xf32>
    %add3A = arith.addf %get3A_40, %dot_general3A_43 : vector<250x128xf32>
    %swap3A = arith.constant 0 : index
    %swap3A_44 = arith.constant 0 : index
    %swap3A_45 = vector.load %arg5[%swap3A, %swap3A_44] : memref<250x256xf32, #tpu.memory_space<vmem>>, vector<250x128xf32>
    tpu.vector_store %arg5[%swap3A, %swap3A_44], %add3A {strides = array<i32>} : memref<250x256xf32, #tpu.memory_space<vmem>>, vector<250x128xf32>,
    %get3A_46 = arith.constant 0 : index
    %get3A_47 = arith.constant 128 : index
    %get3A_48 = vector.load %arg5[%get3A_46, %get3A_47] : memref<250x256xf32, #tpu.memory_space<vmem>>, vector<250x128xf32>
    %convert_element_type3A_49 = arith.truncf %bitcast_convert_type3A_33 : vector<2048x128xf32> to vector<2048x128xbf16>
    %dot_general3A_50 = arith.constant dense<0.000000e+00> : vector<250x128xf32>
    %dot_general3A_51 = tpu.matmul %convert_element_type3A_25, %convert_element_type3A_49, %dot_general3A_50 {dimension_numbers = #tpu.dot_dimension_numbers<[1], [0], [0], [1], [0, 0, 1, 1], [], []>, transpose_lhs_hint = false} : vector<250x2048xbf16>, vector<2048x128xbf16>, vector<250x128xf32> -> vector<250x128xf32>
    %add3A_52 = arith.addf %get3A_48, %dot_general3A_51 : vector<250x128xf32>
    %swap3A_53 = arith.constant 0 : index
    %swap3A_54 = arith.constant 128 : index
    %swap3A_55 = vector.load %arg5[%swap3A_53, %swap3A_54] : memref<250x256xf32, #tpu.memory_space<vmem>>, vector<250x128xf32>
    tpu.vector_store %arg5[%swap3A_53, %swap3A_54], %add3A_52 {strides = array<i32>} : memref<250x256xf32, #tpu.memory_space<vmem>>, vector<250x128xf32>,
    return
  }
  func.func @transform_0(%arg0: i32) -> (i32, i32) {
    %c0_i32 = arith.constant 0 : i32
    %c0_i32_0 = arith.constant 0 : i32
    return %arg0, %c0_i32 : i32, i32
  }
  func.func @transform_1(%arg0: i32) -> (i32, i32) {
    %c0_i32 = arith.constant 0 : i32
    %c0_i32_0 = arith.constant 0 : i32
    return %c0_i32, %arg0 : i32, i32
  }
  func.func @transform_2(%arg0: i32) -> (i32, i32) {
    %c0_i32 = arith.constant 0 : i32
    %c0_i32_0 = arith.constant 0 : i32
    return %c0_i32, %arg0 : i32, i32
  }
  func.func @transform_3(%arg0: i32) -> (i32, i32) {
    %c0_i32 = arith.constant 0 : i32
    %c0_i32_0 = arith.constant 0 : i32
    %c0_i32_1 = arith.constant 0 : i32
    return %c0_i32, %c0_i32_0 : i32, i32
  }
  func.func @transform_4(%arg0: i32) -> (i32, i32) {
    %c0_i32 = arith.constant 0 : i32
    %c0_i32_0 = arith.constant 0 : i32
    %c0_i32_1 = arith.constant 0 : i32
    return %c0_i32, %c0_i32_0 : i32, i32
  }
}

module attributes {stable_mosaic.version = 14 : i64} {
  func.func @_cnt_body(%arg0: i32, %arg1: memref<1x2048xf32, #tpu.memory_space<vmem>>, %arg2: memref<1x2048xf32, #tpu.memory_space<vmem>>, %arg3: memref<250x8xf32, #tpu.memory_space<vmem>>) attributes {dimension_semantics = [#tpu.dimension_semantics<arbitrary>], iteration_bounds = array<i64: 8>, scalar_prefetch = 0 : i64, scratch_operands = 0 : i64, tpu.core_type = #tpu.core_type<tc>, window_params = [{transform_indices = @transform_0, window_bounds = array<i64: 1, 2048>}, {transform_indices = @transform_1, window_bounds = array<i64: 1, 2048>}, {pipeline_mode = #tpu.pipeline_mode<synchronous>, transform_indices = @transform_2, window_bounds = array<i64: 250, 8>}]} {
    %iota3A = tpu.iota {dimensions = array<i32: 0>} : vector<250x2048xi32>
    %convert_element_type3A = arith.sitofp %iota3A : vector<250x2048xi32> to vector<250x2048xf32>
    %get3A = arith.constant 0 : index
    %get3A_0 = arith.constant 0 : index
    %get3A_1 = vector.load %arg1[%get3A, %get3A_0] : memref<1x2048xf32, #tpu.memory_space<vmem>>, vector<1x2048xf32>
    %eq3A = vector.broadcast %get3A_1 : vector<1x2048xf32> to vector<250x2048xf32>
    %eq3A_2 = arith.cmpf oeq, %convert_element_type3A, %eq3A : vector<250x2048xf32>
    %convert_element_type3A_3 = arith.extui %eq3A_2 : vector<250x2048xi1> to vector<250x2048xi32>
    %convert_element_type3A_4 = arith.sitofp %convert_element_type3A_3 : vector<250x2048xi32> to vector<250x2048xf32>
    %iota3A_5 = tpu.iota {dimensions = array<i32: 0>} : vector<8x2048xi32>
    %convert_element_type3A_6 = arith.sitofp %iota3A_5 : vector<8x2048xi32> to vector<8x2048xf32>
    %get3A_7 = arith.constant 0 : index
    %get3A_8 = arith.constant 0 : index
    %get3A_9 = vector.load %arg2[%get3A_7, %get3A_8] : memref<1x2048xf32, #tpu.memory_space<vmem>>, vector<1x2048xf32>
    %eq3A_10 = vector.broadcast %get3A_9 : vector<1x2048xf32> to vector<8x2048xf32>
    %eq3A_11 = arith.cmpf oeq, %convert_element_type3A_6, %eq3A_10 : vector<8x2048xf32>
    %convert_element_type3A_12 = arith.extui %eq3A_11 : vector<8x2048xi1> to vector<8x2048xi32>
    %convert_element_type3A_13 = arith.sitofp %convert_element_type3A_12 : vector<8x2048xi32> to vector<8x2048xf32>
    %eq3A_14 = arith.constant 0 : i32
    %eq3A_15 = arith.cmpi eq, %arg0, %eq3A_14 : i32
    %convert_element_type3A_16 = arith.extui %eq3A_15 : i1 to i32
    %cond3A = arith.constant 0 : i32
    %cond3A_17 = arith.cmpi ne, %convert_element_type3A_16, %cond3A : i32
    scf.if %cond3A_17 {
      %broadcast_in_dim3A = arith.constant 0.000000e+00 : f32
      %broadcast_in_dim3A_24 = vector.broadcast %broadcast_in_dim3A : f32 to vector<250x8xf32>
      %swap3A_25 = arith.constant 0 : index
      %swap3A_26 = arith.constant 0 : index
      %swap3A_27 = vector.load %arg3[%swap3A_25, %swap3A_26] : memref<250x8xf32, #tpu.memory_space<vmem>>, vector<250x8xf32>
      tpu.vector_store %arg3[%swap3A_25, %swap3A_26], %broadcast_in_dim3A_24 {strides = array<i32>} : memref<250x8xf32, #tpu.memory_space<vmem>>, vector<250x8xf32>,
    } else {
    }
    %get3A_18 = arith.constant 0 : index
    %get3A_19 = arith.constant 0 : index
    %get3A_20 = vector.load %arg3[%get3A_18, %get3A_19] : memref<250x8xf32, #tpu.memory_space<vmem>>, vector<250x8xf32>
    %dot_general3A = arith.constant dense<0.000000e+00> : vector<250x8xf32>
    %dot_general3A_21 = tpu.matmul %convert_element_type3A_4, %convert_element_type3A_13, %dot_general3A {dimension_numbers = #tpu.dot_dimension_numbers<[1], [1], [0], [0], [0, 0, 1, 0], [], []>, transpose_lhs_hint = false} : vector<250x2048xf32>, vector<8x2048xf32>, vector<250x8xf32> -> vector<250x8xf32>
    %add3A = arith.addf %get3A_20, %dot_general3A_21 : vector<250x8xf32>
    %swap3A = arith.constant 0 : index
    %swap3A_22 = arith.constant 0 : index
    %swap3A_23 = vector.load %arg3[%swap3A, %swap3A_22] : memref<250x8xf32, #tpu.memory_space<vmem>>, vector<250x8xf32>
    tpu.vector_store %arg3[%swap3A, %swap3A_22], %add3A {strides = array<i32>} : memref<250x8xf32, #tpu.memory_space<vmem>>, vector<250x8xf32>,
    return
  }
  func.func @transform_0(%arg0: i32) -> (i32, i32) {
    %c0_i32 = arith.constant 0 : i32
    %c0_i32_0 = arith.constant 0 : i32
    return %c0_i32, %arg0 : i32, i32
  }
  func.func @transform_1(%arg0: i32) -> (i32, i32) {
    %c0_i32 = arith.constant 0 : i32
    %c0_i32_0 = arith.constant 0 : i32
    return %c0_i32, %arg0 : i32, i32
  }
  func.func @transform_2(%arg0: i32) -> (i32, i32) {
    %c0_i32 = arith.constant 0 : i32
    %c0_i32_0 = arith.constant 0 : i32
    %c0_i32_1 = arith.constant 0 : i32
    return %c0_i32, %c0_i32_0 : i32, i32
  }
}

module attributes {stable_mosaic.version = 14 : i64} {
  func.func @_fin_body(%arg0: i32, %arg1: memref<1x25x256xf32, #tpu.memory_space<vmem>>, %arg2: memref<1x25x128xi32, #tpu.memory_space<vmem>>, %arg3: memref<1x256xf32, #tpu.memory_space<vmem>>, %arg4: memref<256x6400xf32, #tpu.memory_space<vmem>>, %arg5: memref<1x256xf32, #tpu.memory_space<vmem>>, %arg6: memref<1x256xf32, #tpu.memory_space<vmem>>) attributes {dimension_semantics = [#tpu.dimension_semantics<arbitrary>], iteration_bounds = array<i64: 10>, scalar_prefetch = 0 : i64, scratch_operands = 0 : i64, tpu.core_type = #tpu.core_type<tc>, window_params = [{transform_indices = @transform_0, window_bounds = array<i64: 1, 25, 256>}, {transform_indices = @transform_1, window_bounds = array<i64: 1, 25, 128>}, {pipeline_mode = #tpu.pipeline_mode<synchronous>, transform_indices = @transform_2, window_bounds = array<i64: 1, 256>}, {transform_indices = @transform_3, window_bounds = array<i64: 256, 6400>}, {pipeline_mode = #tpu.pipeline_mode<synchronous>, transform_indices = @transform_4, window_bounds = array<i64: 1, 256>}, {pipeline_mode = #tpu.pipeline_mode<synchronous>, transform_indices = @transform_5, window_bounds = array<i64: 1, 256>}]} {
    %get3A = arith.constant 0 : index
    %get3A_0 = arith.constant 0 : index
    %get3A_1 = arith.constant 0 : index
    %get3A_2 = vector.load %arg2[%get3A, %get3A_0, %get3A_1] : memref<1x25x128xi32, #tpu.memory_space<vmem>>, vector<1x25x128xi32>
    %get3A_3 = vector.shape_cast %get3A_2 : vector<1x25x128xi32> to vector<25x128xi32>
    %shift_left3A = arith.constant 16 : i32
    %shift_left3A_4 = vector.broadcast %shift_left3A : i32 to vector<25x128xi32>
    %shift_left3A_5 = arith.shli %get3A_3, %shift_left3A_4 : vector<25x128xi32>
    %bitcast_convert_type3A = tpu.bitcast %shift_left3A_5 : vector<25x128xi32> -> vector<25x128xf32>
    %and3A = arith.constant -65536 : i32
    %and3A_6 = vector.broadcast %and3A : i32 to vector<25x128xi32>
    %and3A_7 = arith.andi %get3A_3, %and3A_6 : vector<25x128xi32>
    %bitcast_convert_type3A_8 = tpu.bitcast %and3A_7 : vector<25x128xi32> -> vector<25x128xf32>
    %concatenate3A = tpu.concatenate %bitcast_convert_type3A, %bitcast_convert_type3A_8 in 1 : vector<25x128xf32>, vector<25x128xf32> -> vector<25x256xf32>
    %get3A_9 = arith.constant 0 : index
    %get3A_10 = arith.constant 0 : index
    %get3A_11 = vector.load %arg3[%get3A_9, %get3A_10] : memref<1x256xf32, #tpu.memory_space<vmem>>, vector<1x256xf32>
    %add3A = vector.broadcast %get3A_11 : vector<1x256xf32> to vector<25x256xf32>
    %add3A_12 = arith.addf %concatenate3A, %add3A : vector<25x256xf32>
    %get3A_13 = arith.constant 0 : index
    %get3A_14 = arith.constant 0 : index
    %get3A_15 = arith.constant 0 : index
    %get3A_16 = vector.load %arg1[%get3A_13, %get3A_14, %get3A_15] : memref<1x25x256xf32, #tpu.memory_space<vmem>>, vector<1x25x256xf32>
    %get3A_17 = vector.shape_cast %get3A_16 : vector<1x25x256xf32> to vector<25x256xf32>
    %add3A_18 = arith.addf %add3A_12, %get3A_17 : vector<25x256xf32>
    %max3A = arith.constant 0.000000e+00 : f32
    %max3A_19 = vector.broadcast %max3A : f32 to vector<25x256xf32>
    %max3A_20 = arith.maximumf %add3A_18, %max3A_19 : vector<25x256xf32>
    %broadcast_in_dim3A = arith.constant 0.000000e+00 : f32
    %broadcast_in_dim3A_21 = vector.broadcast %broadcast_in_dim3A : f32 to vector<1x256xf32>
    %get3A_22 = arith.constant 0 : index
    %get3A_23 = arith.constant 0 : index
    %get3A_24 = vector.load %arg4[%get3A_22, %get3A_23] : memref<256x6400xf32, #tpu.memory_space<vmem>>, vector<256x256xf32>
    %slice3A = vector.extract_strided_slice %max3A_20 {offsets = [0, 0], sizes = [1, 256], strides = [1, 1]} : vector<25x256xf32> to vector<1x256xf32>
    %dot_general3A = arith.constant dense<0.000000e+00> : vector<1x256xf32>
    %dot_general3A_25 = tpu.matmul %slice3A, %get3A_24, %dot_general3A {dimension_numbers = #tpu.dot_dimension_numbers<[1], [1], [0], [0], [0, 0, 1, 0], [], []>, transpose_lhs_hint = false} : vector<1x256xf32>, vector<256x256xf32>, vector<1x256xf32> -> vector<1x256xf32>
    %add3A_26 = arith.addf %broadcast_in_dim3A_21, %dot_general3A_25 : vector<1x256xf32>
    %get3A_27 = arith.constant 0 : index
    %get3A_28 = arith.constant 256 : index
    %get3A_29 = vector.load %arg4[%get3A_27, %get3A_28] : memref<256x6400xf32, #tpu.memory_space<vmem>>, vector<256x256xf32>
    %slice3A_30 = vector.extract_strided_slice %max3A_20 {offsets = [1, 0], sizes = [1, 256], strides = [1, 1]} : vector<25x256xf32> to vector<1x256xf32>
    %dot_general3A_31 = arith.constant dense<0.000000e+00> : vector<1x256xf32>
    %dot_general3A_32 = tpu.matmul %slice3A_30, %get3A_29, %dot_general3A_31 {dimension_numbers = #tpu.dot_dimension_numbers<[1], [1], [0], [0], [0, 0, 1, 0], [], []>, transpose_lhs_hint = false} : vector<1x256xf32>, vector<256x256xf32>, vector<1x256xf32> -> vector<1x256xf32>
    %add3A_33 = arith.addf %add3A_26, %dot_general3A_32 : vector<1x256xf32>
    %get3A_34 = arith.constant 0 : index
    %get3A_35 = arith.constant 512 : index
    %get3A_36 = vector.load %arg4[%get3A_34, %get3A_35] : memref<256x6400xf32, #tpu.memory_space<vmem>>, vector<256x256xf32>
    %slice3A_37 = vector.extract_strided_slice %max3A_20 {offsets = [2, 0], sizes = [1, 256], strides = [1, 1]} : vector<25x256xf32> to vector<1x256xf32>
    %dot_general3A_38 = arith.constant dense<0.000000e+00> : vector<1x256xf32>
    %dot_general3A_39 = tpu.matmul %slice3A_37, %get3A_36, %dot_general3A_38 {dimension_numbers = #tpu.dot_dimension_numbers<[1], [1], [0], [0], [0, 0, 1, 0], [], []>, transpose_lhs_hint = false} : vector<1x256xf32>, vector<256x256xf32>, vector<1x256xf32> -> vector<1x256xf32>
    %add3A_40 = arith.addf %add3A_33, %dot_general3A_39 : vector<1x256xf32>
    %get3A_41 = arith.constant 0 : index
    %get3A_42 = arith.constant 768 : index
    %get3A_43 = vector.load %arg4[%get3A_41, %get3A_42] : memref<256x6400xf32, #tpu.memory_space<vmem>>, vector<256x256xf32>
    %slice3A_44 = vector.extract_strided_slice %max3A_20 {offsets = [3, 0], sizes = [1, 256], strides = [1, 1]} : vector<25x256xf32> to vector<1x256xf32>
    %dot_general3A_45 = arith.constant dense<0.000000e+00> : vector<1x256xf32>
    %dot_general3A_46 = tpu.matmul %slice3A_44, %get3A_43, %dot_general3A_45 {dimension_numbers = #tpu.dot_dimension_numbers<[1], [1], [0], [0], [0, 0, 1, 0], [], []>, transpose_lhs_hint = false} : vector<1x256xf32>, vector<256x256xf32>, vector<1x256xf32> -> vector<1x256xf32>
    %add3A_47 = arith.addf %add3A_40, %dot_general3A_46 : vector<1x256xf32>
    %get3A_48 = arith.constant 0 : index
    %get3A_49 = arith.constant 1024 : index
    %get3A_50 = vector.load %arg4[%get3A_48, %get3A_49] : memref<256x6400xf32, #tpu.memory_space<vmem>>, vector<256x256xf32>
    %slice3A_51 = vector.extract_strided_slice %max3A_20 {offsets = [4, 0], sizes = [1, 256], strides = [1, 1]} : vector<25x256xf32> to vector<1x256xf32>
    %dot_general3A_52 = arith.constant dense<0.000000e+00> : vector<1x256xf32>
    %dot_general3A_53 = tpu.matmul %slice3A_51, %get3A_50, %dot_general3A_52 {dimension_numbers = #tpu.dot_dimension_numbers<[1], [1], [0], [0], [0, 0, 1, 0], [], []>, transpose_lhs_hint = false} : vector<1x256xf32>, vector<256x256xf32>, vector<1x256xf32> -> vector<1x256xf32>
    %add3A_54 = arith.addf %add3A_47, %dot_general3A_53 : vector<1x256xf32>
    %get3A_55 = arith.constant 0 : index
    %get3A_56 = arith.constant 1280 : index
    %get3A_57 = vector.load %arg4[%get3A_55, %get3A_56] : memref<256x6400xf32, #tpu.memory_space<vmem>>, vector<256x256xf32>
    %slice3A_58 = vector.extract_strided_slice %max3A_20 {offsets = [5, 0], sizes = [1, 256], strides = [1, 1]} : vector<25x256xf32> to vector<1x256xf32>
    %dot_general3A_59 = arith.constant dense<0.000000e+00> : vector<1x256xf32>
    %dot_general3A_60 = tpu.matmul %slice3A_58, %get3A_57, %dot_general3A_59 {dimension_numbers = #tpu.dot_dimension_numbers<[1], [1], [0], [0], [0, 0, 1, 0], [], []>, transpose_lhs_hint = false} : vector<1x256xf32>, vector<256x256xf32>, vector<1x256xf32> -> vector<1x256xf32>
    %add3A_61 = arith.addf %add3A_54, %dot_general3A_60 : vector<1x256xf32>
    %get3A_62 = arith.constant 0 : index
    %get3A_63 = arith.constant 1536 : index
    %get3A_64 = vector.load %arg4[%get3A_62, %get3A_63] : memref<256x6400xf32, #tpu.memory_space<vmem>>, vector<256x256xf32>
    %slice3A_65 = vector.extract_strided_slice %max3A_20 {offsets = [6, 0], sizes = [1, 256], strides = [1, 1]} : vector<25x256xf32> to vector<1x256xf32>
    %dot_general3A_66 = arith.constant dense<0.000000e+00> : vector<1x256xf32>
    %dot_general3A_67 = tpu.matmul %slice3A_65, %get3A_64, %dot_general3A_66 {dimension_numbers = #tpu.dot_dimension_numbers<[1], [1], [0], [0], [0, 0, 1, 0], [], []>, transpose_lhs_hint = false} : vector<1x256xf32>, vector<256x256xf32>, vector<1x256xf32> -> vector<1x256xf32>
    %add3A_68 = arith.addf %add3A_61, %dot_general3A_67 : vector<1x256xf32>
    %get3A_69 = arith.constant 0 : index
    %get3A_70 = arith.constant 1792 : index
    %get3A_71 = vector.load %arg4[%get3A_69, %get3A_70] : memref<256x6400xf32, #tpu.memory_space<vmem>>, vector<256x256xf32>
    %slice3A_72 = vector.extract_strided_slice %max3A_20 {offsets = [7, 0], sizes = [1, 256], strides = [1, 1]} : vector<25x256xf32> to vector<1x256xf32>
    %dot_general3A_73 = arith.constant dense<0.000000e+00> : vector<1x256xf32>
    %dot_general3A_74 = tpu.matmul %slice3A_72, %get3A_71, %dot_general3A_73 {dimension_numbers = #tpu.dot_dimension_numbers<[1], [1], [0], [0], [0, 0, 1, 0], [], []>, transpose_lhs_hint = false} : vector<1x256xf32>, vector<256x256xf32>, vector<1x256xf32> -> vector<1x256xf32>
    %add3A_75 = arith.addf %add3A_68, %dot_general3A_74 : vector<1x256xf32>
    %get3A_76 = arith.constant 0 : index
    %get3A_77 = arith.constant 2048 : index
    %get3A_78 = vector.load %arg4[%get3A_76, %get3A_77] : memref<256x6400xf32, #tpu.memory_space<vmem>>, vector<256x256xf32>
    %slice3A_79 = vector.extract_strided_slice %max3A_20 {offsets = [8, 0], sizes = [1, 256], strides = [1, 1]} : vector<25x256xf32> to vector<1x256xf32>
    %dot_general3A_80 = arith.constant dense<0.000000e+00> : vector<1x256xf32>
    %dot_general3A_81 = tpu.matmul %slice3A_79, %get3A_78, %dot_general3A_80 {dimension_numbers = #tpu.dot_dimension_numbers<[1], [1], [0], [0], [0, 0, 1, 0], [], []>, transpose_lhs_hint = false} : vector<1x256xf32>, vector<256x256xf32>, vector<1x256xf32> -> vector<1x256xf32>
    %add3A_82 = arith.addf %add3A_75, %dot_general3A_81 : vector<1x256xf32>
    %get3A_83 = arith.constant 0 : index
    %get3A_84 = arith.constant 2304 : index
    %get3A_85 = vector.load %arg4[%get3A_83, %get3A_84] : memref<256x6400xf32, #tpu.memory_space<vmem>>, vector<256x256xf32>
    %slice3A_86 = vector.extract_strided_slice %max3A_20 {offsets = [9, 0], sizes = [1, 256], strides = [1, 1]} : vector<25x256xf32> to vector<1x256xf32>
    %dot_general3A_87 = arith.constant dense<0.000000e+00> : vector<1x256xf32>
    %dot_general3A_88 = tpu.matmul %slice3A_86, %get3A_85, %dot_general3A_87 {dimension_numbers = #tpu.dot_dimension_numbers<[1], [1], [0], [0], [0, 0, 1, 0], [], []>, transpose_lhs_hint = false} : vector<1x256xf32>, vector<256x256xf32>, vector<1x256xf32> -> vector<1x256xf32>
    %add3A_89 = arith.addf %add3A_82, %dot_general3A_88 : vector<1x256xf32>
    %get3A_90 = arith.constant 0 : index
    %get3A_91 = arith.constant 2560 : index
    %get3A_92 = vector.load %arg4[%get3A_90, %get3A_91] : memref<256x6400xf32, #tpu.memory_space<vmem>>, vector<256x256xf32>
    %slice3A_93 = vector.extract_strided_slice %max3A_20 {offsets = [10, 0], sizes = [1, 256], strides = [1, 1]} : vector<25x256xf32> to vector<1x256xf32>
    %dot_general3A_94 = arith.constant dense<0.000000e+00> : vector<1x256xf32>
    %dot_general3A_95 = tpu.matmul %slice3A_93, %get3A_92, %dot_general3A_94 {dimension_numbers = #tpu.dot_dimension_numbers<[1], [1], [0], [0], [0, 0, 1, 0], [], []>, transpose_lhs_hint = false} : vector<1x256xf32>, vector<256x256xf32>, vector<1x256xf32> -> vector<1x256xf32>
    %add3A_96 = arith.addf %add3A_89, %dot_general3A_95 : vector<1x256xf32>
    %get3A_97 = arith.constant 0 : index
    %get3A_98 = arith.constant 2816 : index
    %get3A_99 = vector.load %arg4[%get3A_97, %get3A_98] : memref<256x6400xf32, #tpu.memory_space<vmem>>, vector<256x256xf32>
    %slice3A_100 = vector.extract_strided_slice %max3A_20 {offsets = [11, 0], sizes = [1, 256], strides = [1, 1]} : vector<25x256xf32> to vector<1x256xf32>
    %dot_general3A_101 = arith.constant dense<0.000000e+00> : vector<1x256xf32>
    %dot_general3A_102 = tpu.matmul %slice3A_100, %get3A_99, %dot_general3A_101 {dimension_numbers = #tpu.dot_dimension_numbers<[1], [1], [0], [0], [0, 0, 1, 0], [], []>, transpose_lhs_hint = false} : vector<1x256xf32>, vector<256x256xf32>, vector<1x256xf32> -> vector<1x256xf32>
    %add3A_103 = arith.addf %add3A_96, %dot_general3A_102 : vector<1x256xf32>
    %get3A_104 = arith.constant 0 : index
    %get3A_105 = arith.constant 3072 : index
    %get3A_106 = vector.load %arg4[%get3A_104, %get3A_105] : memref<256x6400xf32, #tpu.memory_space<vmem>>, vector<256x256xf32>
    %slice3A_107 = vector.extract_strided_slice %max3A_20 {offsets = [12, 0], sizes = [1, 256], strides = [1, 1]} : vector<25x256xf32> to vector<1x256xf32>
    %dot_general3A_108 = arith.constant dense<0.000000e+00> : vector<1x256xf32>
    %dot_general3A_109 = tpu.matmul %slice3A_107, %get3A_106, %dot_general3A_108 {dimension_numbers = #tpu.dot_dimension_numbers<[1], [1], [0], [0], [0, 0, 1, 0], [], []>, transpose_lhs_hint = false} : vector<1x256xf32>, vector<256x256xf32>, vector<1x256xf32> -> vector<1x256xf32>
    %add3A_110 = arith.addf %add3A_103, %dot_general3A_109 : vector<1x256xf32>
    %get3A_111 = arith.constant 0 : index
    %get3A_112 = arith.constant 3328 : index
    %get3A_113 = vector.load %arg4[%get3A_111, %get3A_112] : memref<256x6400xf32, #tpu.memory_space<vmem>>, vector<256x256xf32>
    %slice3A_114 = vector.extract_strided_slice %max3A_20 {offsets = [13, 0], sizes = [1, 256], strides = [1, 1]} : vector<25x256xf32> to vector<1x256xf32>
    %dot_general3A_115 = arith.constant dense<0.000000e+00> : vector<1x256xf32>
    %dot_general3A_116 = tpu.matmul %slice3A_114, %get3A_113, %dot_general3A_115 {dimension_numbers = #tpu.dot_dimension_numbers<[1], [1], [0], [0], [0, 0, 1, 0], [], []>, transpose_lhs_hint = false} : vector<1x256xf32>, vector<256x256xf32>, vector<1x256xf32> -> vector<1x256xf32>
    %add3A_117 = arith.addf %add3A_110, %dot_general3A_116 : vector<1x256xf32>
    %get3A_118 = arith.constant 0 : index
    %get3A_119 = arith.constant 3584 : index
    %get3A_120 = vector.load %arg4[%get3A_118, %get3A_119] : memref<256x6400xf32, #tpu.memory_space<vmem>>, vector<256x256xf32>
    %slice3A_121 = vector.extract_strided_slice %max3A_20 {offsets = [14, 0], sizes = [1, 256], strides = [1, 1]} : vector<25x256xf32> to vector<1x256xf32>
    %dot_general3A_122 = arith.constant dense<0.000000e+00> : vector<1x256xf32>
    %dot_general3A_123 = tpu.matmul %slice3A_121, %get3A_120, %dot_general3A_122 {dimension_numbers = #tpu.dot_dimension_numbers<[1], [1], [0], [0], [0, 0, 1, 0], [], []>, transpose_lhs_hint = false} : vector<1x256xf32>, vector<256x256xf32>, vector<1x256xf32> -> vector<1x256xf32>
    %add3A_124 = arith.addf %add3A_117, %dot_general3A_123 : vector<1x256xf32>
    %get3A_125 = arith.constant 0 : index
    %get3A_126 = arith.constant 3840 : index
    %get3A_127 = vector.load %arg4[%get3A_125, %get3A_126] : memref<256x6400xf32, #tpu.memory_space<vmem>>, vector<256x256xf32>
    %slice3A_128 = vector.extract_strided_slice %max3A_20 {offsets = [15, 0], sizes = [1, 256], strides = [1, 1]} : vector<25x256xf32> to vector<1x256xf32>
    %dot_general3A_129 = arith.constant dense<0.000000e+00> : vector<1x256xf32>
    %dot_general3A_130 = tpu.matmul %slice3A_128, %get3A_127, %dot_general3A_129 {dimension_numbers = #tpu.dot_dimension_numbers<[1], [1], [0], [0], [0, 0, 1, 0], [], []>, transpose_lhs_hint = false} : vector<1x256xf32>, vector<256x256xf32>, vector<1x256xf32> -> vector<1x256xf32>
    %add3A_131 = arith.addf %add3A_124, %dot_general3A_130 : vector<1x256xf32>
    %get3A_132 = arith.constant 0 : index
    %get3A_133 = arith.constant 4096 : index
    %get3A_134 = vector.load %arg4[%get3A_132, %get3A_133] : memref<256x6400xf32, #tpu.memory_space<vmem>>, vector<256x256xf32>
    %slice3A_135 = vector.extract_strided_slice %max3A_20 {offsets = [16, 0], sizes = [1, 256], strides = [1, 1]} : vector<25x256xf32> to vector<1x256xf32>
    %dot_general3A_136 = arith.constant dense<0.000000e+00> : vector<1x256xf32>
    %dot_general3A_137 = tpu.matmul %slice3A_135, %get3A_134, %dot_general3A_136 {dimension_numbers = #tpu.dot_dimension_numbers<[1], [1], [0], [0], [0, 0, 1, 0], [], []>, transpose_lhs_hint = false} : vector<1x256xf32>, vector<256x256xf32>, vector<1x256xf32> -> vector<1x256xf32>
    %add3A_138 = arith.addf %add3A_131, %dot_general3A_137 : vector<1x256xf32>
    %get3A_139 = arith.constant 0 : index
    %get3A_140 = arith.constant 4352 : index
    %get3A_141 = vector.load %arg4[%get3A_139, %get3A_140] : memref<256x6400xf32, #tpu.memory_space<vmem>>, vector<256x256xf32>
    %slice3A_142 = vector.extract_strided_slice %max3A_20 {offsets = [17, 0], sizes = [1, 256], strides = [1, 1]} : vector<25x256xf32> to vector<1x256xf32>
    %dot_general3A_143 = arith.constant dense<0.000000e+00> : vector<1x256xf32>
    %dot_general3A_144 = tpu.matmul %slice3A_142, %get3A_141, %dot_general3A_143 {dimension_numbers = #tpu.dot_dimension_numbers<[1], [1], [0], [0], [0, 0, 1, 0], [], []>, transpose_lhs_hint = false} : vector<1x256xf32>, vector<256x256xf32>, vector<1x256xf32> -> vector<1x256xf32>
    %add3A_145 = arith.addf %add3A_138, %dot_general3A_144 : vector<1x256xf32>
    %get3A_146 = arith.constant 0 : index
    %get3A_147 = arith.constant 4608 : index
    %get3A_148 = vector.load %arg4[%get3A_146, %get3A_147] : memref<256x6400xf32, #tpu.memory_space<vmem>>, vector<256x256xf32>
    %slice3A_149 = vector.extract_strided_slice %max3A_20 {offsets = [18, 0], sizes = [1, 256], strides = [1, 1]} : vector<25x256xf32> to vector<1x256xf32>
    %dot_general3A_150 = arith.constant dense<0.000000e+00> : vector<1x256xf32>
    %dot_general3A_151 = tpu.matmul %slice3A_149, %get3A_148, %dot_general3A_150 {dimension_numbers = #tpu.dot_dimension_numbers<[1], [1], [0], [0], [0, 0, 1, 0], [], []>, transpose_lhs_hint = false} : vector<1x256xf32>, vector<256x256xf32>, vector<1x256xf32> -> vector<1x256xf32>
    %add3A_152 = arith.addf %add3A_145, %dot_general3A_151 : vector<1x256xf32>
    %get3A_153 = arith.constant 0 : index
    %get3A_154 = arith.constant 4864 : index
    %get3A_155 = vector.load %arg4[%get3A_153, %get3A_154] : memref<256x6400xf32, #tpu.memory_space<vmem>>, vector<256x256xf32>
    %slice3A_156 = vector.extract_strided_slice %max3A_20 {offsets = [19, 0], sizes = [1, 256], strides = [1, 1]} : vector<25x256xf32> to vector<1x256xf32>
    %dot_general3A_157 = arith.constant dense<0.000000e+00> : vector<1x256xf32>
    %dot_general3A_158 = tpu.matmul %slice3A_156, %get3A_155, %dot_general3A_157 {dimension_numbers = #tpu.dot_dimension_numbers<[1], [1], [0], [0], [0, 0, 1, 0], [], []>, transpose_lhs_hint = false} : vector<1x256xf32>, vector<256x256xf32>, vector<1x256xf32> -> vector<1x256xf32>
    %add3A_159 = arith.addf %add3A_152, %dot_general3A_158 : vector<1x256xf32>
    %get3A_160 = arith.constant 0 : index
    %get3A_161 = arith.constant 5120 : index
    %get3A_162 = vector.load %arg4[%get3A_160, %get3A_161] : memref<256x6400xf32, #tpu.memory_space<vmem>>, vector<256x256xf32>
    %slice3A_163 = vector.extract_strided_slice %max3A_20 {offsets = [20, 0], sizes = [1, 256], strides = [1, 1]} : vector<25x256xf32> to vector<1x256xf32>
    %dot_general3A_164 = arith.constant dense<0.000000e+00> : vector<1x256xf32>
    %dot_general3A_165 = tpu.matmul %slice3A_163, %get3A_162, %dot_general3A_164 {dimension_numbers = #tpu.dot_dimension_numbers<[1], [1], [0], [0], [0, 0, 1, 0], [], []>, transpose_lhs_hint = false} : vector<1x256xf32>, vector<256x256xf32>, vector<1x256xf32> -> vector<1x256xf32>
    %add3A_166 = arith.addf %add3A_159, %dot_general3A_165 : vector<1x256xf32>
    %get3A_167 = arith.constant 0 : index
    %get3A_168 = arith.constant 5376 : index
    %get3A_169 = vector.load %arg4[%get3A_167, %get3A_168] : memref<256x6400xf32, #tpu.memory_space<vmem>>, vector<256x256xf32>
    %slice3A_170 = vector.extract_strided_slice %max3A_20 {offsets = [21, 0], sizes = [1, 256], strides = [1, 1]} : vector<25x256xf32> to vector<1x256xf32>
    %dot_general3A_171 = arith.constant dense<0.000000e+00> : vector<1x256xf32>
    %dot_general3A_172 = tpu.matmul %slice3A_170, %get3A_169, %dot_general3A_171 {dimension_numbers = #tpu.dot_dimension_numbers<[1], [1], [0], [0], [0, 0, 1, 0], [], []>, transpose_lhs_hint = false} : vector<1x256xf32>, vector<256x256xf32>, vector<1x256xf32> -> vector<1x256xf32>
    %add3A_173 = arith.addf %add3A_166, %dot_general3A_172 : vector<1x256xf32>
    %get3A_174 = arith.constant 0 : index
    %get3A_175 = arith.constant 5632 : index
    %get3A_176 = vector.load %arg4[%get3A_174, %get3A_175] : memref<256x6400xf32, #tpu.memory_space<vmem>>, vector<256x256xf32>
    %slice3A_177 = vector.extract_strided_slice %max3A_20 {offsets = [22, 0], sizes = [1, 256], strides = [1, 1]} : vector<25x256xf32> to vector<1x256xf32>
    %dot_general3A_178 = arith.constant dense<0.000000e+00> : vector<1x256xf32>
    %dot_general3A_179 = tpu.matmul %slice3A_177, %get3A_176, %dot_general3A_178 {dimension_numbers = #tpu.dot_dimension_numbers<[1], [1], [0], [0], [0, 0, 1, 0], [], []>, transpose_lhs_hint = false} : vector<1x256xf32>, vector<256x256xf32>, vector<1x256xf32> -> vector<1x256xf32>
    %add3A_180 = arith.addf %add3A_173, %dot_general3A_179 : vector<1x256xf32>
    %get3A_181 = arith.constant 0 : index
    %get3A_182 = arith.constant 5888 : index
    %get3A_183 = vector.load %arg4[%get3A_181, %get3A_182] : memref<256x6400xf32, #tpu.memory_space<vmem>>, vector<256x256xf32>
    %slice3A_184 = vector.extract_strided_slice %max3A_20 {offsets = [23, 0], sizes = [1, 256], strides = [1, 1]} : vector<25x256xf32> to vector<1x256xf32>
    %dot_general3A_185 = arith.constant dense<0.000000e+00> : vector<1x256xf32>
    %dot_general3A_186 = tpu.matmul %slice3A_184, %get3A_183, %dot_general3A_185 {dimension_numbers = #tpu.dot_dimension_numbers<[1], [1], [0], [0], [0, 0, 1, 0], [], []>, transpose_lhs_hint = false} : vector<1x256xf32>, vector<256x256xf32>, vector<1x256xf32> -> vector<1x256xf32>
    %add3A_187 = arith.addf %add3A_180, %dot_general3A_186 : vector<1x256xf32>
    %get3A_188 = arith.constant 0 : index
    %get3A_189 = arith.constant 6144 : index
    %get3A_190 = vector.load %arg4[%get3A_188, %get3A_189] : memref<256x6400xf32, #tpu.memory_space<vmem>>, vector<256x256xf32>
    %slice3A_191 = vector.extract_strided_slice %max3A_20 {offsets = [24, 0], sizes = [1, 256], strides = [1, 1]} : vector<25x256xf32> to vector<1x256xf32>
    %dot_general3A_192 = arith.constant dense<0.000000e+00> : vector<1x256xf32>
    %dot_general3A_193 = tpu.matmul %slice3A_191, %get3A_190, %dot_general3A_192 {dimension_numbers = #tpu.dot_dimension_numbers<[1], [1], [0], [0], [0, 0, 1, 0], [], []>, transpose_lhs_hint = false} : vector<1x256xf32>, vector<256x256xf32>, vector<1x256xf32> -> vector<1x256xf32>
    %add3A_194 = arith.addf %add3A_187, %dot_general3A_193 : vector<1x256xf32>
    %eq3A = arith.constant 0 : i32
    %eq3A_195 = arith.cmpi eq, %arg0, %eq3A : i32
    %convert_element_type3A = arith.extui %eq3A_195 : i1 to i32
    %cond3A = arith.constant 0 : i32
    %cond3A_196 = arith.cmpi ne, %convert_element_type3A, %cond3A : i32
    scf.if %cond3A_196 {
      %get3A_203 = arith.constant 0 : index
      %get3A_204 = arith.constant 0 : index
      %get3A_205 = vector.load %arg5[%get3A_203, %get3A_204] : memref<1x256xf32, #tpu.memory_space<vmem>>, vector<1x256xf32>
      %swap3A_206 = arith.constant 0 : index
      %swap3A_207 = arith.constant 0 : index
      %swap3A_208 = vector.load %arg6[%swap3A_206, %swap3A_207] : memref<1x256xf32, #tpu.memory_space<vmem>>, vector<1x256xf32>
      tpu.vector_store %arg6[%swap3A_206, %swap3A_207], %get3A_205 {strides = array<i32>} : memref<1x256xf32, #tpu.memory_space<vmem>>, vector<1x256xf32>,
    } else {
    }
    %get3A_197 = arith.constant 0 : index
    %get3A_198 = arith.constant 0 : index
    %get3A_199 = vector.load %arg6[%get3A_197, %get3A_198] : memref<1x256xf32, #tpu.memory_space<vmem>>, vector<1x256xf32>
    %add3A_200 = arith.addf %get3A_199, %add3A_194 : vector<1x256xf32>
    %swap3A = arith.constant 0 : index
    %swap3A_201 = arith.constant 0 : index
    %swap3A_202 = vector.load %arg6[%swap3A, %swap3A_201] : memref<1x256xf32, #tpu.memory_space<vmem>>, vector<1x256xf32>
    tpu.vector_store %arg6[%swap3A, %swap3A_201], %add3A_200 {strides = array<i32>} : memref<1x256xf32, #tpu.memory_space<vmem>>, vector<1x256xf32>,
    return
  }
  func.func @transform_0(%arg0: i32) -> (i32, i32, i32) {
    %c0_i32 = arith.constant 0 : i32
    %c0_i32_0 = arith.constant 0 : i32
    %c0_i32_1 = arith.constant 0 : i32
    return %arg0, %c0_i32, %c0_i32_0 : i32, i32, i32
  }
  func.func @transform_1(%arg0: i32) -> (i32, i32, i32) {
    %c0_i32 = arith.constant 0 : i32
    %c0_i32_0 = arith.constant 0 : i32
    %c0_i32_1 = arith.constant 0 : i32
    return %arg0, %c0_i32, %c0_i32_0 : i32, i32, i32
  }
  func.func @transform_2(%arg0: i32) -> (i32, i32) {
    %c0_i32 = arith.constant 0 : i32
    %c0_i32_0 = arith.constant 0 : i32
    %c0_i32_1 = arith.constant 0 : i32
    return %c0_i32, %c0_i32_0 : i32, i32
  }
  func.func @transform_3(%arg0: i32) -> (i32, i32) {
    %c0_i32 = arith.constant 0 : i32
    %c0_i32_0 = arith.constant 0 : i32
    return %c0_i32, %arg0 : i32, i32
  }
  func.func @transform_4(%arg0: i32) -> (i32, i32) {
    %c0_i32 = arith.constant 0 : i32
    %c0_i32_0 = arith.constant 0 : i32
    %c0_i32_1 = arith.constant 0 : i32
    return %c0_i32, %c0_i32_0 : i32, i32
  }
  func.func @transform_5(%arg0: i32) -> (i32, i32) {
    %c0_i32 = arith.constant 0 : i32
    %c0_i32_0 = arith.constant 0 : i32
    %c0_i32_1 = arith.constant 0 : i32
    return %c0_i32, %c0_i32_0 : i32, i32
  }
}

</mosaic_0001>

<sc_bundles>
// kernel: kernel.7.cloned.1.call-start
scs
__scs_entry_jumppad:
0x0: {  	(pc) =	sbr.rel $0x88, $3  }
0x1: {  	(tag) =	ssettag $0x0;
	lr =	simm.s32 $0x1  }
0x2: {  	[smem:$0x3F99] =	sst lr;
	_ =	strace $0xD0000000  }
0x3: {  	_ = 	snop  }
0x4: {  	_ = 	snop  }
0x5: {  	_ = 	snop  }
0x6: {  	_ = 	snop  }
0x7: {  	_ = 	snop  }
__scs_overlays_trampoline_lowered:
0x8: {  	[smem:$0x3FA8] =	sst s0  }
0x9: {  	[smem:$0x3FA9] =	sst s1  }
0xa: {  	[smem:$0x3FAA] =	sst s2  }
0xb: {  	[smem:$0x3FAB] =	sst s3  }
0xc: {  	[smem:$0x3FAC] =	sst s4  }
0xd: {  	[smem:$0x3FAD] =	sst s5  }
0xe: {  	[smem:$0x3FAE] =	sst s6  }
0xf: {  	[smem:$0x3FAF] =	sst s7  }
0x10: {  	[smem:$0x3FB0] =	sst s8  }
0x11: {  	[smem:$0x3FB1] =	sst s9;
	s0 =	simm.s32 @!p0 $0x0  }
0x12: {  	s1 =	sld [smem:$0x3F97];
	s0 =	simm.s32 @p0 $0x1  }
0x13: {  	[smem:$0x3FB2] =	sst s0;
	s0 =	simm.s32 @!p1 $0x0  }
0x14: {  	s2 =	sld [smem:$0x3F96];
	s0 =	simm.s32 @p1 $0x1  }
0x15: {  	[smem:$0x3FB3] =	sst s0;
	s0 =	simm.s32 @!p2 $0x0  }
0x16: {  	s3 =	sld [smem:$0x3FDB];
	s0 =	simm.s32 @p2 $0x1  }
0x17: {  	s4 =	simm.s32 $0x1BF5;
	[smem:$0x3FB5] =	sst s0  }
0x18: {  	s0 =	sld [smem:$0x3F98];
	_ =	swait.ge [sflag:s4], $0x0  }
0x19: {  	s7 =	sld [smem:$0x3F99]  }
0x1a: {  	s8 =	sadd.s32 $0xFFFFE003, lr  }
0x1b: {  	s9 =	sadd.s32 $0xFFFFFEF7, lr;
	s5 =	simm.s32 $0xFFFFFFFF;
	p2 =	slt.u32 s8, $0xFFFFF086  }
0x1c: {  	p1 =	slt.u32 s9, $0xF7A;
	s5 =	simm.s32 @!p2 $0x0  }
0x1d: {  	s5 =	simm.s32 @p1 $0x1;
	p0 =	seq.s32 s7, s2  }
0x1e: {  	s7 =	smul.u32 @!p0 $0xF7A, s2;
	p2 =	seq.s32 @!p0 s5, $0x0  }
0x1f: {  	s9 =	smul.u32 $0xF7A, s1;
	s8 =	simm.s32 @!p0 $0x1BF5;
	p2 =	por !p2, p0  }
0x20: {  	[sflag:s8] =	ssyncset.s32 @!p0 $0xFFFFF086;
	s6 =	sadd.s32 @!p0 s3, s7;
	s7 =	simm.s32 @!p0 $0x108  }
0x21: {  	s3 =	sadd.s32 s3, s9;
	s6 =	sadd.s32 @!p0 $0x88, s6;
	s7 =	simm.s32 @p2 $0x1082  }
0x22: {  	[simem:s7], [sflag:s8] =	dma.local @!p0 [hbm:s6], $0xF7A  }
0x23: {  	s9 =	sor.u32 $0xD0000000, s2;
	s6 =	simm.s32 $0x108;
	_ =	swait.ge @!p0 [sflag:s8], $0x0  }
0x24: {  	s3 =	sadd.s32 $0x88, s3;
	s6 =	simm.s32 @!p1 $0x1082;
	[sflag:s4] =	ssyncset.s32 $0xFFFFF086  }
0x25: {  	[simem:s6], [sflag:s4] =	dma.local [hbm:s3], $0xF7A  }
0x26: {  	[smem:$0x3F99] =	sst s1;
	(tag) =	ssettag s2;
	_ =	strace s9  }
0x27: {  	s1 =	sld [smem:$0x3FA9]  }
0x28: {  	s2 =	sld [smem:$0x3FAA]  }
0x29: {  	s4 =	sld [smem:$0x3FAC]  }
0x2a: {  	p0 =	seq.s32 s5, $0x0;
	s5 =	sld [smem:$0x3FAD]  }
0x2b: {  	s6 =	sld [smem:$0x3FAE]  }
0x2c: {  	s7 =	sld [smem:$0x3FAF]  }
0x2d: {  	s3 =	simm.s32 $0x108;
	s8 =	sld [smem:$0x3FB0]  }
0x2e: {  	s3 =	simm.s32 @!p0 $0x1082;
	s9 =	sld [smem:$0x3FB1]  }
0x2f: {  	lr =	sadd.s32 s0, s3;
	s0 =	sld [smem:$0x3FA8]  }
0x30: {  	s3 =	sld [smem:$0x3FAB]  }
0x31: {  	[smem:$0x3FB4] =	sst s10  }
0x32: {  	s10 =	sld [smem:$0x3FB2];
	_ =	sdelay $0x3  }
0x33: {  	p0 =	seq.s32 s10, $0x1;
	s10 =	sld [smem:$0x3FB4];
	_ =	sdelay $0x3  }
0x34: {  	[smem:$0x3FB4] =	sst s10  }
0x35: {  	s10 =	sld [smem:$0x3FB3];
	_ =	sdelay $0x3  }
0x36: {  	p1 =	seq.s32 s10, $0x1;
	s10 =	sld [smem:$0x3FB4];
	_ =	sdelay $0x3  }
0x37: {  	[smem:$0x3FB4] =	sst s10  }
0x38: {  	s10 =	sld [smem:$0x3FB5]  }
0x39: {  	_ = 	snop;
	(pc) =	sbr.ind lr, $3  }
0x3a: {  	_ = 	snop  }
0x3b: {  	_ = 	snop  }
0x3c: {  	p2 =	seq.s32 s10, $0x1;
	s10 =	sld [smem:$0x3FB4]  }
0x3d: {  	_ =	shalt  }
0x3e: {  	_ =	shalt  }
0x3f: {  	_ =	shalt  }
0x40: {  	_ =	shalt  }
0x41: {  	_ =	shalt  }
0x42: {  	_ =	shalt  }
0x43: {  	_ =	shalt  }
0x44: {  	_ =	shalt  }
0x45: {  	_ =	shalt  }
0x46: {  	_ =	shalt  }
0x47: {  	_ =	shalt  }
0x48: {  	_ =	shalt  }
0x49: {  	_ =	shalt  }
0x4a: {  	_ =	shalt  }
0x4b: {  	_ =	shalt  }
0x4c: {  	_ =	shalt  }
0x4d: {  	_ =	shalt  }
0x4e: {  	_ =	shalt  }
0x4f: {  	_ =	shalt  }
0x50: {  	_ =	shalt  }
0x51: {  	_ =	shalt  }
0x52: {  	_ =	shalt  }
0x53: {  	_ =	shalt  }
0x54: {  	_ =	shalt  }
0x55: {  	_ =	shalt  }
0x56: {  	_ =	shalt  }
0x57: {  	_ =	shalt  }
0x58: {  	_ =	shalt  }
0x59: {  	_ =	shalt  }
0x5a: {  	_ =	shalt  }
0x5b: {  	_ =	shalt  }
0x5c: {  	_ =	shalt  }
0x5d: {  	_ =	shalt  }
0x5e: {  	_ =	shalt  }
0x5f: {  	_ =	shalt  }
0x60: {  	_ =	shalt  }
0x61: {  	_ =	shalt  }
0x62: {  	_ =	shalt  }
0x63: {  	_ =	shalt  }
0x64: {  	_ =	shalt  }
0x65: {  	_ =	shalt  }
0x66: {  	_ =	shalt  }
0x67: {  	_ =	shalt  }
0x68: {  	_ =	shalt  }
0x69: {  	_ =	shalt  }
0x6a: {  	_ =	shalt  }
0x6b: {  	_ =	shalt  }
0x6c: {  	_ =	shalt  }
0x6d: {  	_ =	shalt  }
0x6e: {  	_ =	shalt  }
0x6f: {  	_ =	shalt  }
0x70: {  	_ =	shalt  }
0x71: {  	_ =	shalt  }
0x72: {  	_ =	shalt  }
0x73: {  	_ =	shalt  }
0x74: {  	_ =	shalt  }
0x75: {  	_ =	shalt  }
0x76: {  	_ =	shalt  }
0x77: {  	_ =	shalt  }
0x78: {  	_ =	shalt  }
0x79: {  	_ =	shalt  }
0x7a: {  	_ =	shalt  }
0x7b: {  	_ =	shalt  }
0x7c: {  	_ =	shalt  }
0x7d: {  	_ =	shalt  }
0x7e: {  	_ =	shalt  }
0x7f: {  	_ =	shalt  }
0x80: {  	_ =	shalt  }
0x81: {  	_ =	shalt  }
0x82: {  	_ =	shalt  }
0x83: {  	_ =	shalt  }
0x84: {  	_ =	shalt  }
0x85: {  	_ =	shalt  }
0x86: {  	_ =	shalt  }
0x87: {  	_ =	shalt  }
.Lfunc_end0:
.L_simem_size_0:
called_computation_lowered:
.L_overlay_start_0:
0x88: {  	s2 =	sld [smem:$0x3FD9]  }
0x89: {  	s3 =	sld [smem:$0x3FFE];
	_ =	sdelay $0x1  }
0x8a: {  	s1 =	srdreg.scid  }
0x8b: {  	s0 =	sand.u32 $0x1, s1  }
0x8c: {  	s16 =	sshll.u32 s0, $0xA;
	s2 =	sadd.s32 s3, s2  }
0x8d: {  	s2 =	sadd.s32 s2, s16  }
0x8e: {  	[smem:$0x3FC0] =	sst s2  }
0x8f: {  	_ = 	snop  }
0x90: {  	(tm) =	ssettm $0x1  }
0x91: {  	s17 =	sld [smem:$0x3FFB];
	_ =	sdelay $0x3  }
0x92: {  	_ =	strace s17  }
0x93: {  	s2 =	sld [smem:$0x3FFC];
	_ =	sdelay $0x3  }
0x94: {  	_ =	strace s2  }
0x95: {  	s2 =	sld [smem:$0x3FFD];
	_ =	sdelay $0x3  }
0x96: {  	_ =	strace s2  }
0x97: {  	_ =	strace $0x8FFFFFFF  }
0x98: {  	s18 =	sld [smem:$0x3FDB];
	_ =	sdelay $0x1  }
0x99: {  	s19 =	simm.s32 $_scs_section_size  }
0x9a: {  	s4 =	simm.s32 $_size__tile_overlayer_lowered;
	s5 =	simm.s32 $_tile_overlayer_lowered  }
0x9b: {  	s22 =	simm.s32 $0x1BFF;
	s21 =	sshll.u32 s5, $0x1;
	s2 =	sadd.s32 s19, s18  }
0x9c: {  	s6 =	simm.s32 $0x0;
	s20 =	sshll.u32 s4, $0x1;
	s4 =	sadd.s32 s21, s2  }
0x9d: {  	[timem:s6], [sflag:s22] =	dma.local [hbm:s4], s20  }
0x9e: {  	_ =	swait.ge [sflag:s22], s20  }
0x9f: {  	s3 =	ssub.s32 $0x0, s20;
	[sflag:s22] =	ssyncset.done $0x0  }
0xa0: {  	[sflag:s22] =	ssyncadd.s32 s3;
	_ =	sdelay $0x1  }
0xa1: {  	s23 =	simm.s32 $0x1B8B  }
0xa2: {  	_ =	swait.ge [sflag:s23], $0x1  }
0xa3: {  	[sflag:s23] =	ssyncset.done $0x0  }
0xa4: {  	s25 =	simm.s32 $0x1B8E;
	s24 =	sld [smem:$0x3FFE];
	[sflag:s23] =	ssyncadd.s32 $0xFFFFFFFF  }
0xa5: {  	s26 =	simm.s32 $execute0_lowered;
	[smem:$0x3FD2] =	sst s25  }
0xa6: {  	s4 =	sshll.u32 s26, $0x1;
	_ =	strace $0x80000046;
	[dreg:$0x1] =	wrdreg $0xFFFFFFFF  }
0xa7: {  	s28 =	simm.s32 $_size_execute0_lowered;
	s2 =	sadd.s32 s2, s4;
	[dreg:$0x0] =	wrdreg $0x0  }
0xa8: {  	s4 =	sshll.u32 s28, $0x1;
	[dreg:$0x2] =	wrdreg s2  }
0xa9: {  	[dreg:$0x3] =	wrdreg s4  }
0xaa: {  	[dreg:$0x4] =	wrdreg $0xC0  }
0xab: {  	_ =	task [dreg:s6], $0x5FFFF  }
0xac: {  	[dreg:$0x1] =	wrdreg $0xFFFFFFFF  }
0xad: {  	[dreg:$0x0] =	wrdreg $0x60  }
0xae: {  	[dreg:$0x2] =	wrdreg s24  }
0xaf: {  	[dreg:$0x3] =	wrdreg $0x9  }
0xb0: {  	_ =	task.clear_ibuf [dreg:s6], $0x4FFFF;
	_ =	strace $0x90000046  }
0xb1: {  	s29 =	simm.s32 $0x9;
	_ =	strace $0x80000048  }
0xb2: {  	_ =	swait.ge [sflag:s29], $0x1  }
0xb3: {  	[sflag:s29] =	ssyncadd.s32 $0xFFFFFFFF  }
0xb4: {  	_ =	strace $0x90000048  }
0xb5: {  	_ =	sfence  }
0xb6: {  	s30 =	sld [smem:$0x0];
	_ =	sdelay $0x2  }
0xb7: {  	s31 =	sshll.u32 s1, $0xD;
	s1 =	sshrl.u32 s1, $0x2  }
0xb8: {  	s3 =	sand.u32 $0x4000, s31;
	s1 =	sadd.s32 s1, s30  }
0xb9: {  	s0 =	sor.u32 s3, s0;
	s1 =	sshll.u32 s1, $0x11  }
0xba: {  	s0 =	sor.u32 s1, s0  }
0xbb: {  	s0 =	sadd.s32 $0x8F2B, s0  }
0xbc: {  	[sflag:s0] =	ssyncadd.remote.s32 $0x1  }
0xbd: {  	_ =	sfence.sel $0xFFFF  }
0xbe: {  	[dreg:$0x0] =	wrdreg $0xFFFFFFFF;
	(pc) =	sbr.abs _section_cstart, $3  }
0xbf: {  	[dreg:$0x1] =	wrdreg $0xFFFFFFFF  }
0xc0: {  	_ =	task.clear_ibuf [dreg:s6], $0x2FFFF;
	_ =	strace $0x9FFFFFFF  }
0xc1: {  	(tm) =	ssettm $0x7FFFFFFF  }
tec
execute0_lowered:
.L_overlay_start_1:
0x0: {  	(tag) =	ssettag $0x1  }
0x1: {  	s1 =	srdreg.scid  }
0x2: {  	s0 =	stileid.u32;
	s1 =	sand.u32 $0x1, s1  }
0x3: {  	s3 =	sshll.u32 s0, $0x9;
	s2 =	sshll.u32 s1, $0xD  }
0x4: {  	s4 =	rddreg [dreg:$0x0];
	s3 =	sor.u32 s3, s2;
	s2 =	simm.s32 $0x0  }
0x5: {  	s15 =	simm.s32 $0x400;
	[smem:$0x7FF] =	sst s2  }
0x6: {  	s16 =	simm.s32 $0x480;
	_ =	strace $0x80000047;
	[dreg:$0xb] =	wrdreg s15  }
0x7: {  	s17 =	simm.s32 $0x500;
	[dreg:$0xc] =	wrdreg s16  }
0x8: {  	s18 =	simm.s32 $0x580;
	[dreg:$0xd] =	wrdreg s17  }
0x9: {  	s19 =	simm.s32 $0x600;
	s20 =	simm.s32 $0x680;
	[dreg:$0xe] =	wrdreg s18  }
0xa: {  	s6 =	simm.s32 $0x700;
	s5 =	sshrl.u32 s3, $0x2;
	[dreg:$0xf] =	wrdreg s19  }
0xb: {  	s3 =	sshll.u32 s3, $0x4;
	s5 =	sadd.s32 s5, s4;
	[dreg:$0x10] =	wrdreg s20  }
0xc: {  	s3 =	sadd.s32 s3, s4;
	[dreg:$0x11] =	wrdreg s6;
	s5 =	sadd.s32 $0x8000, s5  }
0xd: {  	s8 =	sadd.s32 $0x9000, s3;
	[dreg:$0x2] =	wrdreg s5  }
0xe: {  	s9 =	sadd.s32 $0x9400, s3;
	[dreg:$0x3] =	wrdreg s8  }
0xf: {  	s10 =	sadd.s32 $0x9800, s3;
	[dreg:$0x4] =	wrdreg s9  }
0x10: {  	s11 =	sadd.s32 $0x9C00, s3;
	[dreg:$0x5] =	wrdreg s10  }
0x11: {  	s12 =	sadd.s32 $0xA000, s3;
	[dreg:$0x6] =	wrdreg s11  }
0x12: {  	s13 =	sadd.s32 $0xA400, s3;
	[dreg:$0x7] =	wrdreg s12  }
0x13: {  	s14 =	sadd.s32 $0xA800, s3;
	[dreg:$0x8] =	wrdreg s13  }
0x14: {  	s3 =	sadd.s32 $0xAC00, s3;
	[dreg:$0x9] =	wrdreg s14  }
0x15: {  	[dreg:$0xa] =	wrdreg s3  }
0x16: {  	s3 =	simm.s32 $0x11;
	s21 =	rddreg [dreg:$0x2]  }
0x17: {  	[tilespmem:s2], [sflag:$0x11] =	stream.linear.gather [hbm4b:s21+s2], $0x400, $0x38;
	[tilespmem:$0x10800] =	vst v63  }
0x18: {  	_ =	swait.ge [sflag:s3], $0x400  }
0x19: {  	[sflag:s3] =	ssyncset.done $0x0  }
0x1a: {  	[sflag:s3] =	ssyncadd.s32 $0xFFFFFC00  }
0x1b: {  	v0 =	vld [tilespmem:$0x20]  }
0x1c: {  	v1 =	vld [tilespmem:$0x30]  }
0x1d: {  	v2 =	vld [tilespmem:$0xB0]  }
0x1e: {  	v3 =	vld [tilespmem:$0xA0]  }
0x1f: {  	v4 =	vld [tilespmem:$0x90]  }
0x20: {  	v5 =	vld [tilespmem:$0x80]  }
0x21: {  	v6 =	vld [tilespmem:$0x10]  }
0x22: {  	v7 =	vld [tilespmem:$0x0];
	v2 =	vmul.u32 $0xFA, v2  }
0x23: {  	v3 =	vmul.u32 $0xFA, v3  }
0x24: {  	v4 =	vmul.u32 $0xFA, v4;
	v1 =	vadd.s32 v1, v2  }
0x25: {  	v35 =	vmul.u32 $0xFA, v5;
	v0 =	vadd.s32 v0, v3;
	[tilespmem:$0x430] =	vst v1  }
0x26: {  	v36 =	vadd.s32 v6, v4;
	[tilespmem:$0x420] =	vst v0  }
0x27: {  	s4 =	sadd.s32 $0x200, s4;
	v37 =	vadd.s32 v7, v35;
	[tilespmem:$0x410] =	vst v36  }
0x28: {  	s6 =	simm.s32 $0x800;
	s5 =	simm.s32 $0x40;
	s7 =	rddreg [dreg:$0xb];
	[tilespmem:$0x400] =	vst v37  }
0x29: {  	[tilespmem:s6], [sflag:$0x1] =	stream.indirect.gather [hbm4b:s4+s5], $0x80, s7, s5, $0xb8;
	[tilespmem:$0x10800] =	vst v63  }
0x2a: {  	v38 =	vld [tilespmem:$0x40]  }
0x2b: {  	v39 =	vld [tilespmem:$0x50]  }
0x2c: {  	v40 =	vld [tilespmem:$0xC0]  }
0x2d: {  	v41 =	vld [tilespmem:$0xD0]  }
0x2e: {  	v42 =	vld [tilespmem:$0xE0]  }
0x2f: {  	v43 =	vld [tilespmem:$0xF0]  }
0x30: {  	v44 =	vld [tilespmem:$0x60]  }
0x31: {  	v45 =	vld [tilespmem:$0x70];
	v2 =	vmul.u32 $0xFA, v40  }
0x32: {  	v3 =	vmul.u32 $0xFA, v41  }
0x33: {  	v46 =	vmul.u32 $0xFA, v42;
	v0 =	vadd.s32 v38, v2  }
0x34: {  	v48 =	vmul.u32 $0xFA, v43;
	v47 =	vadd.s32 v39, v3;
	[tilespmem:$0x480] =	vst v0  }
0x35: {  	v49 =	vadd.s32 v44, v46;
	[tilespmem:$0x490] =	vst v47  }
0x36: {  	v50 =	vadd.s32 v45, v48;
	[tilespmem:$0x4A0] =	vst v49  }
0x37: {  	s8 =	rddreg [dreg:$0xc];
	s7 =	simm.s32 $0x2800;
	[tilespmem:$0x4B0] =	vst v50  }
0x38: {  	[tilespmem:s7], [sflag:$0x2] =	stream.indirect.gather [hbm4b:s4+s5], $0x80, s8, s5, $0xb8;
	[tilespmem:$0x10800] =	vst v63  }
0x39: {  	v51 =	vld [tilespmem:$0x1A0]  }
0x3a: {  	v52 =	vld [tilespmem:$0x120]  }
0x3b: {  	v53 =	vld [tilespmem:$0x190]  }
0x3c: {  	v54 =	vld [tilespmem:$0x1B0]  }
0x3d: {  	v55 =	vld [tilespmem:$0x110]  }
0x3e: {  	v56 =	vld [tilespmem:$0x180]  }
0x3f: {  	v57 =	vld [tilespmem:$0x130]  }
0x40: {  	v58 =	vld [tilespmem:$0x100];
	v0 =	vmul.u32 $0xFA, v51  }
0x41: {  	v2 =	vmul.u32 $0xFA, v53  }
0x42: {  	v59 =	vmul.u32 $0xFA, v54;
	v0 =	vadd.s32 v52, v0  }
0x43: {  	v60 =	vmul.u32 $0xFA, v56;
	v2 =	vadd.s32 v55, v2;
	[tilespmem:$0x520] =	vst v0  }
0x44: {  	v1 =	vadd.s32 v57, v59;
	[tilespmem:$0x510] =	vst v2  }
0x45: {  	[tilespmem:$0x530] =	vst v1;
	v0 =	vadd.s32 v58, v60  }
0x46: {  	s9 =	rddreg [dreg:$0xd];
	s8 =	simm.s32 $0x4800;
	[tilespmem:$0x500] =	vst v0  }
0x47: {  	[tilespmem:s8], [sflag:$0x3] =	stream.indirect.gather [hbm4b:s4+s5], $0x80, s9, s5, $0xb8;
	[tilespmem:$0x10800] =	vst v63  }
0x48: {  	v61 =	vld [tilespmem:$0x170]  }
0x49: {  	v62 =	vld [tilespmem:$0x1F0]  }
0x4a: {  	v63 =	vld [tilespmem:$0x1D0]  }
0x4b: {  	v9 =	vld [tilespmem:$0x150]  }
0x4c: {  	v10 =	vld [tilespmem:$0x1E0]  }
0x4d: {  	v11 =	vld [tilespmem:$0x1C0]  }
0x4e: {  	v12 =	vld [tilespmem:$0x160]  }
0x4f: {  	v13 =	vld [tilespmem:$0x140];
	v1 =	vmul.u32 $0xFA, v62  }
0x50: {  	v2 =	vmul.u32 $0xFA, v63  }
0x51: {  	v14 =	vmul.u32 $0xFA, v10;
	v0 =	vadd.s32 v61, v1  }
0x52: {  	v15 =	vmul.u32 $0xFA, v11;
	v2 =	vadd.s32 v9, v2;
	[tilespmem:$0x5B0] =	vst v0  }
0x53: {  	v1 =	vadd.s32 v12, v14;
	[tilespmem:$0x590] =	vst v2  }
0x54: {  	v0 =	vadd.s32 v13, v15;
	[tilespmem:$0x5A0] =	vst v1  }
0x55: {  	s10 =	rddreg [dreg:$0xe];
	s9 =	simm.s32 $0x6800;
	[tilespmem:$0x580] =	vst v0  }
0x56: {  	[tilespmem:s9], [sflag:$0x4] =	stream.indirect.gather [hbm4b:s4+s5], $0x80, s10, s5, $0xb8;
	[tilespmem:$0x10800] =	vst v63  }
0x57: {  	v16 =	vld [tilespmem:$0x220]  }
0x58: {  	v17 =	vld [tilespmem:$0x290]  }
0x59: {  	v18 =	vld [tilespmem:$0x2A0]  }
0x5a: {  	v19 =	vld [tilespmem:$0x210]  }
0x5b: {  	v20 =	vld [tilespmem:$0x280]  }
0x5c: {  	v21 =	vld [tilespmem:$0x2B0]  }
0x5d: {  	v22 =	vld [tilespmem:$0x200]  }
0x5e: {  	v23 =	vld [tilespmem:$0x230];
	v1 =	vmul.u32 $0xFA, v17  }
0x5f: {  	v2 =	vmul.u32 $0xFA, v18  }
0x60: {  	v24 =	vmul.u32 $0xFA, v20;
	v1 =	vadd.s32 v19, v1  }
0x61: {  	v25 =	vmul.u32 $0xFA, v21;
	v0 =	vadd.s32 v16, v2;
	[tilespmem:$0x610] =	vst v1  }
0x62: {  	v26 =	vadd.s32 v22, v24;
	[tilespmem:$0x620] =	vst v0  }
0x63: {  	v27 =	vadd.s32 v23, v25;
	[tilespmem:$0x600] =	vst v26  }
0x64: {  	s11 =	rddreg [dreg:$0xf];
	s10 =	simm.s32 $0x8800;
	[tilespmem:$0x630] =	vst v27  }
0x65: {  	[tilespmem:s10], [sflag:$0x5] =	stream.indirect.gather [hbm4b:s4+s5], $0x80, s11, s5, $0xb8;
	[tilespmem:$0x10800] =	vst v63  }
0x66: {  	v28 =	vld [tilespmem:$0x270]  }
0x67: {  	v29 =	vld [tilespmem:$0x260]  }
0x68: {  	v30 =	vld [tilespmem:$0x2E0]  }
0x69: {  	v31 =	vld [tilespmem:$0x2F0]  }
0x6a: {  	v32 =	vld [tilespmem:$0x2D0]  }
0x6b: {  	v33 =	vld [tilespmem:$0x2C0]  }
0x6c: {  	v34 =	vld [tilespmem:$0x250]  }
0x6d: {  	v35 =	vld [tilespmem:$0x240];
	v2 =	vmul.u32 $0xFA, v30  }
0x6e: {  	v3 =	vmul.u32 $0xFA, v31  }
0x6f: {  	v4 =	vmul.u32 $0xFA, v32;
	v1 =	vadd.s32 v29, v2  }
0x70: {  	v36 =	vmul.u32 $0xFA, v33;
	v0 =	vadd.s32 v28, v3;
	[tilespmem:$0x6A0] =	vst v1  }
0x71: {  	v37 =	vadd.s32 v34, v4;
	[tilespmem:$0x6B0] =	vst v0  }
0x72: {  	v38 =	vadd.s32 v35, v36;
	[tilespmem:$0x690] =	vst v37  }
0x73: {  	s12 =	rddreg [dreg:$0x10];
	s11 =	simm.s32 $0xA800;
	[tilespmem:$0x680] =	vst v38  }
0x74: {  	[tilespmem:s11], [sflag:$0x6] =	stream.indirect.gather [hbm4b:s4+s5], $0x80, s12, s5, $0xb8;
	[tilespmem:$0x10800] =	vst v63  }
0x75: {  	v39 =	vld [tilespmem:$0x300]  }
0x76: {  	v40 =	vld [tilespmem:$0x380]  }
0x77: {  	v41 =	vld [tilespmem:$0x390]  }
0x78: {  	v42 =	vld [tilespmem:$0x310]  }
0x79: {  	v43 =	vld [tilespmem:$0x3A0]  }
0x7a: {  	v44 =	vld [tilespmem:$0x3B0]  }
0x7b: {  	v45 =	vld [tilespmem:$0x320]  }
0x7c: {  	v46 =	vld [tilespmem:$0x330];
	v1 =	vmul.u32 $0xFA, v40  }
0x7d: {  	v2 =	vmul.u32 $0xFA, v41  }
0x7e: {  	v47 =	vmul.u32 $0xFA, v43;
	v0 =	vadd.s32 v39, v1  }
0x7f: {  	v49 =	vmul.u32 $0xFA, v44;
	v48 =	vadd.s32 v42, v2;
	[tilespmem:$0x700] =	vst v0  }
0x80: {  	v50 =	vadd.s32 v45, v47;
	[tilespmem:$0x710] =	vst v48  }
0x81: {  	v51 =	vadd.s32 v46, v49;
	[tilespmem:$0x720] =	vst v50  }
0x82: {  	s13 =	rddreg [dreg:$0x11];
	s12 =	simm.s32 $0xC800;
	[tilespmem:$0x730] =	vst v51  }
0x83: {  	[tilespmem:s12], [sflag:$0x7] =	stream.indirect.gather [hbm4b:s4+s5], $0x80, s13, s5, $0xb8;
	[tilespmem:$0x10800] =	vst v63  }
0x84: {  	v52 =	vld [tilespmem:$0x360]  }
0x85: {  	v53 =	vld [tilespmem:$0x340]  }
0x86: {  	v54 =	vld [tilespmem:$0x3E0]  }
0x87: {  	v55 =	vld [tilespmem:$0x3C0]  }
0x88: {  	v56 =	vld [tilespmem:$0x3F0]  }
0x89: {  	v57 =	vld [tilespmem:$0x3D0]  }
0x8a: {  	v58 =	vld [tilespmem:$0x370]  }
0x8b: {  	v59 =	vld [tilespmem:$0x350];
	v2 =	vmul.u32 $0xFA, v54  }
0x8c: {  	v3 =	vmul.u32 $0xFA, v55  }
0x8d: {  	v60 =	vmul.u32 $0xFA, v56;
	v0 =	vadd.s32 v52, v2  }
0x8e: {  	v61 =	vmul.u32 $0xFA, v57;
	v1 =	vadd.s32 v53, v3;
	[tilespmem:$0x7A0] =	vst v0  }
0x8f: {  	v62 =	vadd.s32 v58, v60;
	[tilespmem:$0x780] =	vst v1  }
0x90: {  	v63 =	vadd.s32 v59, v61;
	[tilespmem:$0x7B0] =	vst v62  }
0x91: {  	s15 =	simm.s32 $0x1;
	s14 =	simm.s32 $0x780;
	s13 =	simm.s32 $0xE800;
	[tilespmem:$0x790] =	vst v63  }
0x92: {  	[tilespmem:s13], [sflag:$0x8] =	stream.indirect.gather [hbm4b:s4+s5], $0x80, s14, s5, $0xb8;
	[tilespmem:$0x10800] =	vst v63  }
0x93: {  	s25 =	simm.s32 $0x3;
	s29 =	simm.s32 $0x4;
	_ =	swait.ge [sflag:s15], $0x2000  }
0x94: {  	s31 =	simm.s32 $0x5;
	s1 =	ssub.s32 $0x2, s1;
	[sflag:s15] =	ssyncset.done $0x0  }
0x95: {  	s19 =	simm.s32 $0x2;
	s16 =	rddreg [dreg:$0x3];
	[sflag:s15] =	ssyncadd.s32 $0xFFFFE000  }
0x96: {  	[hbm4b:s16+s2] =	stream.linear.scatter [tilespmem:s6], [sflag:$0x9], $0x2000, $0x38;
	[tilespmem:$0x10800] =	vst v63  }
0x97: {  	s30 =	simm.s32 $0x6;
	s24 =	sshrl.u32 s1, $0x1;
	_ =	swait.ge [sflag:s19], $0x2000  }
0x98: {  	s28 =	simm.s32 $0x7;
	s1 =	ssub.s32 s1, s24;
	[sflag:s19] =	ssyncset.done $0x0  }
0x99: {  	s24 =	simm.s32 $0x9;
	s22 =	rddreg [dreg:$0x4];
	[sflag:s19] =	ssyncadd.s32 $0xFFFFE000  }
0x9a: {  	[hbm4b:s22+s2] =	stream.linear.scatter [tilespmem:s7], [sflag:$0xA], $0x2000, $0x38;
	[tilespmem:$0x10800] =	vst v63  }
0x9b: {  	s1 =	smax.u32 s1, $0x1;
	s20 =	simm.s32 $0xD;
	_ =	swait.ge [sflag:s25], $0x2000  }
0x9c: {  	s18 =	simm.s32 $0xE;
	s17 =	simm.s32 $0xF;
	[sflag:s25] =	ssyncset.done $0x0  }
0x9d: {  	p0 =	sne.s32 s1, $0x1;
	s23 =	rddreg [dreg:$0x5];
	[sflag:s25] =	ssyncadd.s32 $0xFFFFE000  }
0x9e: {  	[hbm4b:s23+s2] =	stream.linear.scatter [tilespmem:s8], [sflag:$0xB], $0x2000, $0x38;
	[tilespmem:$0x10800] =	vst v63  }
.Ltmp0:
0x9f: {  	s1 =	sadd.s32 $0xFFFFFFFF, s1;
	_ =	swait.ge [sflag:s29], $0x2000;
	(pc) =	sbr.rel @!p0 .LBB2_2-.Ltmp0, $4  }
0xa0: {  	s21 =	simm.s32 $0xC;
	s16 =	simm.s32 $0x10;
	[sflag:s29] =	ssyncset.done $0x0  }
0xa1: {  	s22 =	simm.s32 $0xA;
	s26 =	rddreg [dreg:$0x6];
	[sflag:s29] =	ssyncadd.s32 $0xFFFFE000  }
0xa2: {  	[hbm4b:s26+s2] =	stream.linear.scatter [tilespmem:s9], [sflag:$0xC], $0x2000, $0x38;
	[tilespmem:$0x10800] =	vst v63  }
0xa3: {  	s23 =	simm.s32 $0xB;
	s26 =	simm.s32 $0x8;
	_ =	swait.ge [sflag:s31], $0x2000  }
.LBB2_1:
0xa4: {  	[sflag:s31] =	ssyncset.done $0x0  }
0xa5: {  	s0 =	rddreg [dreg:$0x7];
	[sflag:s31] =	ssyncadd.s32 $0xFFFFE000  }
0xa6: {  	[hbm4b:s0+s2] =	stream.linear.scatter [tilespmem:s10], [sflag:$0xD], $0x2000, $0x38;
	[tilespmem:$0x10800] =	vst v63  }
0xa7: {  	_ =	swait.ge [sflag:s30], $0x2000  }
0xa8: {  	[sflag:s30] =	ssyncset.done $0x0  }
0xa9: {  	s0 =	rddreg [dreg:$0x8];
	[sflag:s30] =	ssyncadd.s32 $0xFFFFE000  }
0xaa: {  	[hbm4b:s0+s2] =	stream.linear.scatter [tilespmem:s11], [sflag:$0xE], $0x2000, $0x38;
	[tilespmem:$0x10800] =	vst v63  }
0xab: {  	_ =	swait.ge [sflag:s28], $0x2000  }
0xac: {  	[sflag:s28] =	ssyncset.done $0x0  }
0xad: {  	s0 =	rddreg [dreg:$0x9];
	[sflag:s28] =	ssyncadd.s32 $0xFFFFE000  }
0xae: {  	[hbm4b:s0+s2] =	stream.linear.scatter [tilespmem:s12], [sflag:$0xF], $0x2000, $0x38;
	[tilespmem:$0x10800] =	vst v63  }
0xaf: {  	_ =	swait.ge [sflag:s26], $0x2000  }
0xb0: {  	[sflag:s26] =	ssyncset.done $0x0  }
0xb1: {  	s0 =	rddreg [dreg:$0xa];
	[sflag:s26] =	ssyncadd.s32 $0xFFFFE000  }
0xb2: {  	[hbm4b:s0+s2] =	stream.linear.scatter [tilespmem:s13], [sflag:$0x10], $0x2000, $0x38;
	[tilespmem:$0x10800] =	vst v63  }
0xb3: {  	_ =	swait.ge [sflag:s24], $0x2000  }
0xb4: {  	[sflag:s24] =	ssyncset.done $0x0  }
0xb5: {  	[sflag:s24] =	ssyncadd.s32 $0xFFFFE000  }
0xb6: {  	_ =	swait.ge [sflag:s22], $0x2000  }
0xb7: {  	[sflag:s22] =	ssyncset.done $0x0  }
0xb8: {  	[sflag:s22] =	ssyncadd.s32 $0xFFFFE000  }
0xb9: {  	_ =	swait.ge [sflag:s23], $0x2000  }
0xba: {  	[sflag:s23] =	ssyncset.done $0x0  }
0xbb: {  	[sflag:s23] =	ssyncadd.s32 $0xFFFFE000  }
0xbc: {  	_ =	swait.ge [sflag:s21], $0x2000  }
0xbd: {  	[sflag:s21] =	ssyncset.done $0x0  }
0xbe: {  	[sflag:s21] =	ssyncadd.s32 $0xFFFFE000  }
0xbf: {  	_ =	swait.ge [sflag:s20], $0x2000  }
0xc0: {  	[sflag:s20] =	ssyncset.done $0x0  }
0xc1: {  	[sflag:s20] =	ssyncadd.s32 $0xFFFFE000  }
0xc2: {  	_ =	swait.ge [sflag:s18], $0x2000  }
0xc3: {  	[sflag:s18] =	ssyncset.done $0x0  }
0xc4: {  	[sflag:s18] =	ssyncadd.s32 $0xFFFFE000  }
0xc5: {  	_ =	swait.ge [sflag:s17], $0x2000  }
0xc6: {  	[sflag:s17] =	ssyncset.done $0x0  }
0xc7: {  	[sflag:s17] =	ssyncadd.s32 $0xFFFFE000  }
0xc8: {  	_ =	swait.ge [sflag:s16], $0x2000  }
0xc9: {  	[sflag:s16] =	ssyncset.done $0x0  }
0xca: {  	s0 =	rddreg [dreg:$0x2];
	[sflag:s16] =	ssyncadd.s32 $0xFFFFE000  }
0xcb: {  	[tilespmem:s2], [sflag:$0x11] =	stream.linear.gather [hbm4b:s0+s2], $0x400, $0x38;
	[tilespmem:$0x10800] =	vst v63  }
0xcc: {  	_ =	swait.ge [sflag:s3], $0x400  }
0xcd: {  	[sflag:s3] =	ssyncset.done $0x0  }
0xce: {  	[sflag:s3] =	ssyncadd.s32 $0xFFFFFC00  }
0xcf: {  	v0 =	vld [tilespmem:$0x20]  }
0xd0: {  	v1 =	vld [tilespmem:$0x30]  }
0xd1: {  	v2 =	vld [tilespmem:$0xB0]  }
0xd2: {  	v3 =	vld [tilespmem:$0xA0]  }
0xd3: {  	v4 =	vld [tilespmem:$0x90]  }
0xd4: {  	v5 =	vld [tilespmem:$0x80]  }
0xd5: {  	v6 =	vld [tilespmem:$0x10]  }
0xd6: {  	v7 =	vld [tilespmem:$0x0];
	v2 =	vmul.u32 $0xFA, v2  }
0xd7: {  	v3 =	vmul.u32 $0xFA, v3  }
0xd8: {  	v4 =	vmul.u32 $0xFA, v4;
	v1 =	vadd.s32 v1, v2  }
0xd9: {  	v35 =	vmul.u32 $0xFA, v5;
	v0 =	vadd.s32 v0, v3;
	[tilespmem:$0x430] =	vst v1  }
0xda: {  	v36 =	vadd.s32 v6, v4;
	[tilespmem:$0x420] =	vst v0  }
0xdb: {  	v37 =	vadd.s32 v7, v35;
	[tilespmem:$0x410] =	vst v36  }
0xdc: {  	s0 =	rddreg [dreg:$0xb];
	[tilespmem:$0x400] =	vst v37  }
0xdd: {  	[tilespmem:s6], [sflag:$0x1] =	stream.indirect.gather [hbm4b:s4+s5], $0x80, s0, s5, $0xb8;
	[tilespmem:$0x10800] =	vst v63  }
0xde: {  	v38 =	vld [tilespmem:$0x40]  }
0xdf: {  	v39 =	vld [tilespmem:$0x50]  }
0xe0: {  	v40 =	vld [tilespmem:$0xC0]  }
0xe1: {  	v41 =	vld [tilespmem:$0xD0]  }
0xe2: {  	v42 =	vld [tilespmem:$0xE0]  }
0xe3: {  	v43 =	vld [tilespmem:$0xF0]  }
0xe4: {  	v44 =	vld [tilespmem:$0x60]  }
0xe5: {  	v45 =	vld [tilespmem:$0x70];
	v2 =	vmul.u32 $0xFA, v40  }
0xe6: {  	v3 =	vmul.u32 $0xFA, v41  }
0xe7: {  	v46 =	vmul.u32 $0xFA, v42;
	v0 =	vadd.s32 v38, v2  }
0xe8: {  	v48 =	vmul.u32 $0xFA, v43;
	v47 =	vadd.s32 v39, v3;
	[tilespmem:$0x480] =	vst v0  }
0xe9: {  	v49 =	vadd.s32 v44, v46;
	[tilespmem:$0x490] =	vst v47  }
0xea: {  	v50 =	vadd.s32 v45, v48;
	[tilespmem:$0x4A0] =	vst v49  }
0xeb: {  	s0 =	rddreg [dreg:$0xc];
	[tilespmem:$0x4B0] =	vst v50  }
0xec: {  	[tilespmem:s7], [sflag:$0x2] =	stream.indirect.gather [hbm4b:s4+s5], $0x80, s0, s5, $0xb8;
	[tilespmem:$0x10800] =	vst v63  }
0xed: {  	v52 =	vld [tilespmem:$0x1A0]  }
0xee: {  	v53 =	vld [tilespmem:$0x120]  }
0xef: {  	v54 =	vld [tilespmem:$0x190]  }
0xf0: {  	v55 =	vld [tilespmem:$0x1B0]  }
0xf1: {  	v56 =	vld [tilespmem:$0x110]  }
0xf2: {  	v57 =	vld [tilespmem:$0x180]  }
0xf3: {  	v51 =	vld [tilespmem:$0x130]  }
0xf4: {  	v58 =	vld [tilespmem:$0x100];
	v1 =	vmul.u32 $0xFA, v52  }
0xf5: {  	v3 =	vmul.u32 $0xFA, v54  }
0xf6: {  	v59 =	vmul.u32 $0xFA, v55;
	v1 =	vadd.s32 v53, v1  }
0xf7: {  	v60 =	vmul.u32 $0xFA, v57;
	v3 =	vadd.s32 v56, v3;
	[tilespmem:$0x520] =	vst v1  }
0xf8: {  	v0 =	vadd.s32 v51, v59;
	[tilespmem:$0x510] =	vst v3  }
0xf9: {  	v61 =	vadd.s32 v58, v60;
	[tilespmem:$0x530] =	vst v0  }
0xfa: {  	s0 =	rddreg [dreg:$0xd];
	[tilespmem:$0x500] =	vst v61  }
0xfb: {  	[tilespmem:s8], [sflag:$0x3] =	stream.indirect.gather [hbm4b:s4+s5], $0x80, s0, s5, $0xb8;
	[tilespmem:$0x10800] =	vst v63  }
0xfc: {  	v62 =	vld [tilespmem:$0x170]  }
0xfd: {  	v63 =	vld [tilespmem:$0x1F0]  }
0xfe: {  	v9 =	vld [tilespmem:$0x1D0]  }
0xff: {  	v10 =	vld [tilespmem:$0x150]  }
0x100: {  	v11 =	vld [tilespmem:$0x1E0]  }
0x101: {  	v12 =	vld [tilespmem:$0x1C0]  }
0x102: {  	v13 =	vld [tilespmem:$0x160]  }
0x103: {  	v14 =	vld [tilespmem:$0x140];
	v1 =	vmul.u32 $0xFA, v63  }
0x104: {  	v2 =	vmul.u32 $0xFA, v9  }
0x105: {  	v16 =	vmul.u32 $0xFA, v11;
	v0 =	vadd.s32 v62, v1  }
0x106: {  	v17 =	vmul.u32 $0xFA, v12;
	v15 =	vadd.s32 v10, v2;
	[tilespmem:$0x5B0] =	vst v0  }
0x107: {  	v18 =	vadd.s32 v13, v16;
	[tilespmem:$0x590] =	vst v15  }
0x108: {  	v0 =	vadd.s32 v14, v17;
	[tilespmem:$0x5A0] =	vst v18  }
0x109: {  	s0 =	rddreg [dreg:$0xe];
	[tilespmem:$0x580] =	vst v0  }
0x10a: {  	[tilespmem:s9], [sflag:$0x4] =	stream.indirect.gather [hbm4b:s4+s5], $0x80, s0, s5, $0xb8;
	[tilespmem:$0x10800] =	vst v63  }
0x10b: {  	v19 =	vld [tilespmem:$0x220]  }
0x10c: {  	v20 =	vld [tilespmem:$0x290]  }
0x10d: {  	v21 =	vld [tilespmem:$0x2A0]  }
0x10e: {  	v22 =	vld [tilespmem:$0x210]  }
0x10f: {  	v23 =	vld [tilespmem:$0x280]  }
0x110: {  	v24 =	vld [tilespmem:$0x2B0]  }
0x111: {  	v25 =	vld [tilespmem:$0x200]  }
0x112: {  	v26 =	vld [tilespmem:$0x230];
	v1 =	vmul.u32 $0xFA, v20  }
0x113: {  	v2 =	vmul.u32 $0xFA, v21  }
0x114: {  	v27 =	vmul.u32 $0xFA, v23;
	v1 =	vadd.s32 v22, v1  }
0x115: {  	v28 =	vmul.u32 $0xFA, v24;
	v0 =	vadd.s32 v19, v2;
	[tilespmem:$0x610] =	vst v1  }
0x116: {  	v29 =	vadd.s32 v25, v27;
	[tilespmem:$0x620] =	vst v0  }
0x117: {  	[tilespmem:$0x600] =	vst v29;
	v0 =	vadd.s32 v26, v28  }
0x118: {  	s0 =	rddreg [dreg:$0xf];
	[tilespmem:$0x630] =	vst v0  }
0x119: {  	[tilespmem:s10], [sflag:$0x5] =	stream.indirect.gather [hbm4b:s4+s5], $0x80, s0, s5, $0xb8;
	[tilespmem:$0x10800] =	vst v63  }
0x11a: {  	v30 =	vld [tilespmem:$0x270]  }
0x11b: {  	v31 =	vld [tilespmem:$0x260]  }
0x11c: {  	v32 =	vld [tilespmem:$0x2E0]  }
0x11d: {  	v33 =	vld [tilespmem:$0x2F0]  }
0x11e: {  	v34 =	vld [tilespmem:$0x2D0]  }
0x11f: {  	v35 =	vld [tilespmem:$0x2C0]  }
0x120: {  	v36 =	vld [tilespmem:$0x250]  }
0x121: {  	v37 =	vld [tilespmem:$0x240];
	v2 =	vmul.u32 $0xFA, v32  }
0x122: {  	v3 =	vmul.u32 $0xFA, v33  }
0x123: {  	v4 =	vmul.u32 $0xFA, v34;
	v1 =	vadd.s32 v31, v2  }
0x124: {  	v38 =	vmul.u32 $0xFA, v35;
	v0 =	vadd.s32 v30, v3;
	[tilespmem:$0x6A0] =	vst v1  }
0x125: {  	v39 =	vadd.s32 v36, v4;
	[tilespmem:$0x6B0] =	vst v0  }
0x126: {  	v40 =	vadd.s32 v37, v38;
	[tilespmem:$0x690] =	vst v39  }
0x127: {  	s0 =	rddreg [dreg:$0x10];
	[tilespmem:$0x680] =	vst v40  }
0x128: {  	[tilespmem:s11], [sflag:$0x6] =	stream.indirect.gather [hbm4b:s4+s5], $0x80, s0, s5, $0xb8;
	[tilespmem:$0x10800] =	vst v63  }
0x129: {  	v41 =	vld [tilespmem:$0x300]  }
0x12a: {  	v42 =	vld [tilespmem:$0x380]  }
0x12b: {  	v43 =	vld [tilespmem:$0x390]  }
0x12c: {  	v44 =	vld [tilespmem:$0x310]  }
0x12d: {  	v45 =	vld [tilespmem:$0x3A0]  }
0x12e: {  	v46 =	vld [tilespmem:$0x3B0]  }
0x12f: {  	v47 =	vld [tilespmem:$0x320]  }
0x130: {  	v48 =	vld [tilespmem:$0x330];
	v1 =	vmul.u32 $0xFA, v42  }
0x131: {  	v2 =	vmul.u32 $0xFA, v43  }
0x132: {  	v50 =	vmul.u32 $0xFA, v45;
	v0 =	vadd.s32 v41, v1  }
0x133: {  	v51 =	vmul.u32 $0xFA, v46;
	v49 =	vadd.s32 v44, v2;
	[tilespmem:$0x700] =	vst v0  }
0x134: {  	v1 =	vadd.s32 v47, v50;
	[tilespmem:$0x710] =	vst v49  }
0x135: {  	[tilespmem:$0x720] =	vst v1;
	v0 =	vadd.s32 v48, v51  }
0x136: {  	s0 =	rddreg [dreg:$0x11];
	[tilespmem:$0x730] =	vst v0  }
0x137: {  	[tilespmem:s12], [sflag:$0x7] =	stream.indirect.gather [hbm4b:s4+s5], $0x80, s0, s5, $0xb8;
	[tilespmem:$0x10800] =	vst v63  }
0x138: {  	v52 =	vld [tilespmem:$0x360]  }
0x139: {  	v53 =	vld [tilespmem:$0x340]  }
0x13a: {  	v54 =	vld [tilespmem:$0x3E0]  }
0x13b: {  	v55 =	vld [tilespmem:$0x3C0]  }
0x13c: {  	v56 =	vld [tilespmem:$0x3F0]  }
0x13d: {  	v57 =	vld [tilespmem:$0x3D0]  }
0x13e: {  	v58 =	vld [tilespmem:$0x370]  }
0x13f: {  	v59 =	vld [tilespmem:$0x350];
	v2 =	vmul.u32 $0xFA, v54  }
0x140: {  	v3 =	vmul.u32 $0xFA, v55  }
0x141: {  	v60 =	vmul.u32 $0xFA, v56;
	v0 =	vadd.s32 v52, v2  }
0x142: {  	v61 =	vmul.u32 $0xFA, v57;
	v1 =	vadd.s32 v53, v3;
	[tilespmem:$0x7A0] =	vst v0  }
0x143: {  	v62 =	vadd.s32 v58, v60;
	[tilespmem:$0x780] =	vst v1  }
0x144: {  	v63 =	vadd.s32 v59, v61;
	[tilespmem:$0x7B0] =	vst v62  }
0x145: {  	[tilespmem:$0x790] =	vst v63  }
0x146: {  	[tilespmem:s13], [sflag:$0x8] =	stream.indirect.gather [hbm4b:s4+s5], $0x80, s14, s5, $0xb8;
	[tilespmem:$0x10800] =	vst v63  }
0x147: {  	_ =	swait.ge [sflag:s15], $0x2000  }
0x148: {  	[sflag:s15] =	ssyncset.done $0x0  }
0x149: {  	s0 =	rddreg [dreg:$0x3];
	[sflag:s15] =	ssyncadd.s32 $0xFFFFE000  }
0x14a: {  	[hbm4b:s0+s2] =	stream.linear.scatter [tilespmem:s6], [sflag:$0x9], $0x2000, $0x38;
	[tilespmem:$0x10800] =	vst v63  }
0x14b: {  	_ =	swait.ge [sflag:s19], $0x2000  }
0x14c: {  	[sflag:s19] =	ssyncset.done $0x0  }
0x14d: {  	s0 =	rddreg [dreg:$0x4];
	[sflag:s19] =	ssyncadd.s32 $0xFFFFE000  }
0x14e: {  	[hbm4b:s0+s2] =	stream.linear.scatter [tilespmem:s7], [sflag:$0xA], $0x2000, $0x38;
	[tilespmem:$0x10800] =	vst v63  }
0x14f: {  	_ =	swait.ge [sflag:s25], $0x2000  }
0x150: {  	[sflag:s25] =	ssyncset.done $0x0  }
0x151: {  	p0 =	sne.s32 s1, $0x1;
	s0 =	rddreg [dreg:$0x5];
	[sflag:s25] =	ssyncadd.s32 $0xFFFFE000  }
0x152: {  	[hbm4b:s0+s2] =	stream.linear.scatter [tilespmem:s8], [sflag:$0xB], $0x2000, $0x38;
	[tilespmem:$0x10800] =	vst v63  }
.Ltmp1:
0x153: {  	_ =	swait.ge [sflag:s29], $0x2000;
	(pc) =	sbr.rel @p0 .LBB2_1-.Ltmp1, $4  }
0x154: {  	[sflag:s29] =	ssyncset.done $0x0  }
0x155: {  	s0 =	rddreg [dreg:$0x6];
	[sflag:s29] =	ssyncadd.s32 $0xFFFFE000  }
0x156: {  	[hbm4b:s0+s2] =	stream.linear.scatter [tilespmem:s9], [sflag:$0xC], $0x2000, $0x38;
	[tilespmem:$0x10800] =	vst v63  }
0x157: {  	s1 =	sadd.s32 $0xFFFFFFFF, s1;
	_ =	swait.ge [sflag:s31], $0x2000  }
.LBB2_2:
0x158: {  	[sflag:s31] =	ssyncset.done $0x0  }
0x159: {  	s0 =	rddreg [dreg:$0x7];
	[sflag:s31] =	ssyncadd.s32 $0xFFFFE000  }
0x15a: {  	[hbm4b:s0+s2] =	stream.linear.scatter [tilespmem:s10], [sflag:$0xD], $0x2000, $0x38;
	[tilespmem:$0x10800] =	vst v63  }
0x15b: {  	_ =	swait.ge [sflag:s30], $0x2000  }
0x15c: {  	[sflag:s30] =	ssyncset.done $0x0  }
0x15d: {  	s25 =	rddreg [dreg:$0x8];
	[sflag:s30] =	ssyncadd.s32 $0xFFFFE000  }
0x15e: {  	[hbm4b:s25+s2] =	stream.linear.scatter [tilespmem:s11], [sflag:$0xE], $0x2000, $0x38;
	[tilespmem:$0x10800] =	vst v63  }
0x15f: {  	_ =	swait.ge [sflag:s28], $0x2000  }
0x160: {  	[sflag:s28] =	ssyncset.done $0x0  }
0x161: {  	s29 =	rddreg [dreg:$0x9];
	[sflag:s28] =	ssyncadd.s32 $0xFFFFE000  }
0x162: {  	[hbm4b:s29+s2] =	stream.linear.scatter [tilespmem:s12], [sflag:$0xF], $0x2000, $0x38;
	[tilespmem:$0x10800] =	vst v63  }
0x163: {  	_ =	swait.ge [sflag:s26], $0x2000  }
0x164: {  	[sflag:s26] =	ssyncset.done $0x0  }
0x165: {  	s30 =	rddreg [dreg:$0xa];
	[sflag:s26] =	ssyncadd.s32 $0xFFFFE000  }
0x166: {  	[hbm4b:s30+s2] =	stream.linear.scatter [tilespmem:s13], [sflag:$0x10], $0x2000, $0x38;
	[tilespmem:$0x10800] =	vst v63  }
0x167: {  	_ =	swait.ge [sflag:s24], $0x2000  }
0x168: {  	[sflag:s24] =	ssyncset.done $0x0  }
0x169: {  	[sflag:s24] =	ssyncadd.s32 $0xFFFFE000  }
0x16a: {  	_ =	swait.ge [sflag:s22], $0x2000  }
0x16b: {  	[sflag:s22] =	ssyncset.done $0x0  }
0x16c: {  	[sflag:s22] =	ssyncadd.s32 $0xFFFFE000  }
0x16d: {  	_ =	swait.ge [sflag:s23], $0x2000  }
0x16e: {  	[sflag:s23] =	ssyncset.done $0x0  }
0x16f: {  	[sflag:s23] =	ssyncadd.s32 $0xFFFFE000  }
0x170: {  	_ =	swait.ge [sflag:s21], $0x2000  }
0x171: {  	[sflag:s21] =	ssyncset.done $0x0  }
0x172: {  	[sflag:s21] =	ssyncadd.s32 $0xFFFFE000  }
0x173: {  	_ =	swait.ge [sflag:s20], $0x2000  }
0x174: {  	[sflag:s20] =	ssyncset.done $0x0  }
0x175: {  	[sflag:s20] =	ssyncadd.s32 $0xFFFFE000  }
0x176: {  	_ =	swait.ge [sflag:s18], $0x2000  }
0x177: {  	[sflag:s18] =	ssyncset.done $0x0  }
0x178: {  	[sflag:s18] =	ssyncadd.s32 $0xFFFFE000  }
0x179: {  	_ =	swait.ge [sflag:s17], $0x2000  }
0x17a: {  	[sflag:s17] =	ssyncset.done $0x0  }
0x17b: {  	[sflag:s17] =	ssyncadd.s32 $0xFFFFE000  }
0x17c: {  	_ =	swait.ge [sflag:s16], $0x2000  }
0x17d: {  	[sflag:s16] =	ssyncset.done $0x0  }
0x17e: {  	[sflag:s16] =	ssyncadd.s32 $0xFFFFE000  }
0x17f: {  	_ =	sfence.sel $0x180000  }
0x180: {  	[bflag:$0x0] =	sbarrier.arrive $0xFFFF  }
0x181: {  	_ =	strace $0x90000047  }
0x182: {  	s31 =	stileid.u32;
	[bflag:$0x2] =	sbarrier.arrive $0xFFFF  }
0x183: {  	p0 =	sne.s32 s31, $0x0;
	s0 =	rddreg [dreg:$0x1]  }
0x184: {  	s0 =	sadd.s32 @!p0 $0x100000, s0  }
0x185: {  	[sflag:s0] =	ssyncadd.tile.s32 @!p0 $0x1;
	_ =	shalt  }
.Lfunc_end2:
_tile_overlayer_lowered:
.L_overlay_start_2:
0x186: {  	(tag) =	ssettag $0x2  }
0x187: {  	s0 =	rddreg [dreg:$0x0];
	s2 =	stileid.u32  }
0x188: {  	s1 =	rddreg [dreg:$0x1];
	p0 =	sne.s32 s2, $0x0  }
0x189: {  	s3 =	rddreg [dreg:$0x2];
	[bflag:$0x3] =	sbarrier.arrive $0xFFFF;
	s2 =	simm.s32 @!p0 $0x1C11  }
0x18a: {  	[timem:s3], [sflag:s2] =	dma.local @!p0 [hbm:s0], s1  }
0x18b: {  	s0 =	simm.s32 @!p0 $0x11  }
0x18c: {  	_ =	swait.ge @!p0 [sflag:s0], s1  }
0x18d: {  	s1 =	ssub.s32 @!p0 $0x0, s1;
	[sflag:s0] =	ssyncset.done @!p0 $0x0  }
0x18e: {  	[sflag:s0] =	ssyncadd.s32 @!p0 s1  }
0x18f: {  	[bflag:$0x3] =	sbarrier.arrive $0xFFFF  }
0x190: {  	_ =	shalt  }

</sc_bundles>
